<compile_context>
chip_gen: v7x
topology: tpu7x:2x2x1
jax: 0.10.2.dev20260603
libtpu: 0.0.44.dev20260713+nightly
codegen_flags: <defaults>
</compile_context>

<pallas_src>
import functools

import jax
import jax.numpy as jnp
from jax import lax
from jax.experimental import pallas as pl
from jax.experimental.pallas import tpu as pltpu
from jax.experimental.pallas import tpu_sc as plsc

N_NODES = 100000
HIDDEN = 128
LANES = 16
NW = 32
IDX_MINOR = 100
IDX_ROWS = 2
CHUNK = IDX_ROWS * IDX_MINOR
STEPS = 16
SPAN_IDX_ROWS = STEPS * IDX_ROWS


@functools.partial(
    pl.kernel,
    out_type=jax.ShapeDtypeStruct((N_NODES, HIDDEN), jnp.float32),
    mesh=plsc.VectorSubcoreMesh(core_axis_name="c", subcore_axis_name="s"),
    scratch_types=[
        pltpu.VMEM((SPAN_IDX_ROWS + 8, IDX_MINOR), jnp.int32),
        pltpu.VMEM((CHUNK, HIDDEN), jnp.float32),
        pltpu.VMEM((CHUNK, HIDDEN), jnp.float32),
        pltpu.VMEM((CHUNK, HIDDEN), jnp.float32),
        pltpu.VMEM((CHUNK, HIDDEN), jnp.float32),
        pltpu.VMEM((2 * LANES,), jnp.float32),
        pltpu.SemaphoreType.DMA,
        pltpu.SemaphoreType.DMA,
        pltpu.SemaphoreType.DMA,
        pltpu.SemaphoreType.DMA,
    ],
)
def _sc_fused(feat_hbm, idx_hbm, pe_hbm, ab_hbm, out_hbm,
              idx_v, feat_a, feat_b, pe_a, pe_b, ab_v,
              sem_la, sem_lb, sem_wa, sem_wb):
    cid = lax.axis_index("c")
    sid = lax.axis_index("s")
    row_base = cid * (N_NODES // 2) + sid * (STEPS * CHUNK)
    irow_base = cid * (N_NODES // 2 // IDX_MINOR) + sid * SPAN_IDX_ROWS
    off = 4 * cid
    aligned_base = pl.multiple_of(irow_base - off, 8)
    n_w = jnp.where(sid < 15, STEPS, 10)

    @pl.when(sid < 15)
    def _():
        pltpu.sync_copy(idx_hbm.at[pl.ds(aligned_base,
                                         SPAN_IDX_ROWS + 8)], idx_v)

    @pl.when(sid == 15)
    def _():
        pltpu.sync_copy(idx_hbm.at[pl.ds(aligned_base, 24)],
                        idx_v.at[pl.ds(0, 24)])
    pltpu.sync_copy(ab_hbm, ab_v)
    va = ab_v[pl.ds(0, LANES)]
    vb = ab_v[pl.ds(LANES, LANES)]

    def start_load(i, feat_v, pe_v, sem_l):
        base = row_base + i * CHUNK
        pltpu.async_copy(feat_hbm.at[pl.ds(base, CHUNK)], feat_v, sem_l)
        for k in range(IDX_ROWS):
            pltpu.async_copy(pe_hbm.at[idx_v.at[off + i * IDX_ROWS + k]],
                             pe_v.at[pl.ds(k * IDX_MINOR, IDX_MINOR)], sem_l)

    def wait_load(feat_v, pe_v, sem_l):
        pltpu.make_async_copy(feat_hbm.at[pl.ds(0, CHUNK)], feat_v,
                              sem_l).wait()
        pltpu.make_async_copy(feat_hbm.at[pl.ds(0, CHUNK)], pe_v,
                              sem_l).wait()

    def wait_wb(feat_v, sem_w):
        pltpu.make_async_copy(feat_v, out_hbm.at[pl.ds(0, CHUNK)],
                              sem_w).wait()

    def compute_store(i, feat_v, pe_v, sem_w):
        def row_body(r, rc):
            for k in range(HIDDEN // LANES):
                sl = pl.ds(k * LANES, LANES)
                feat_v[r, sl] = va * feat_v[r, sl] + vb * pe_v[r, sl]
            return rc

        lax.fori_loop(0, CHUNK, row_body, 0)
        base = row_base + i * CHUNK
        pltpu.async_copy(feat_v, out_hbm.at[pl.ds(base, CHUNK)], sem_w)

    start_load(0, feat_a, pe_a, sem_la)

    def pair_body(p, carry):
        i1 = 2 * p + 1
        i2 = 2 * p + 2

        wait_load(feat_a, pe_a, sem_la)

        @pl.when(p > 0)
        def _():
            wait_wb(feat_b, sem_wb)

        start_load(i1, feat_b, pe_b, sem_lb)
        compute_store(2 * p, feat_a, pe_a, sem_wa)
        wait_load(feat_b, pe_b, sem_lb)

        @pl.when(i2 < n_w)
        def _():
            wait_wb(feat_a, sem_wa)
            start_load(i2, feat_a, pe_a, sem_la)

        compute_store(i1, feat_b, pe_b, sem_wb)
        return carry

    lax.fori_loop(0, n_w // 2, pair_body, 0)

    wait_wb(feat_a, sem_wa)
    wait_wb(feat_b, sem_wb)


def kernel(bayesian_features, node_indices, pe_g, pe_m, pe_d, alpha, beta):
    idx2d = node_indices.astype(jnp.int32).reshape(
        N_NODES // IDX_MINOR, IDX_MINOR)
    ab = jnp.concatenate([
        jnp.broadcast_to(alpha.astype(jnp.float32), (LANES,)),
        jnp.broadcast_to(beta.astype(jnp.float32), (LANES,)),
    ])
    return _sc_fused(bayesian_features, idx2d, pe_g, ab)

# --- scband reference (transcript-rebuilt; emitter-appended) ---
"""Pipeline reference for scband-fourier-position-embedding-72241349919292 (READ-ONLY COPY).

The authoritative reference and input builder live on the scoring server;
editing this copy changes nothing except your own understanding.
"""

import jax, jax.numpy as jnp
import numpy as np
import math

MAX_POSITION = 2048
HIDDEN = 128
N_NODES = 100000


def _fourier_table(max_position, hidden_size):
    position = jnp.arange(0, max_position, dtype=jnp.float32)[:, None]
    div_term = jnp.exp(jnp.arange(0, hidden_size, 2, dtype=jnp.float32) * -(math.log(10000.0) / hidden_size))
    pe = jnp.zeros((max_position, hidden_size), dtype=jnp.float32)
    pe = pe.at[:, 0::2].set(jnp.sin(position * div_term))
    pe = pe.at[:, 1::2].set(jnp.cos(position * div_term))
    return pe


def setup_inputs(seed: int = 0) -> dict:
    key = jax.random.key(seed)
    k1, k2 = jax.random.split(key)
    bayesian_features = jax.random.normal(k1, (N_NODES, HIDDEN), dtype=jnp.float32)
    node_indices = jax.random.randint(k2, (N_NODES,), 0, MAX_POSITION, dtype=jnp.int64 if jax.config.jax_enable_x64 else jnp.int32)
    pe_g = _fourier_table(MAX_POSITION, HIDDEN)
    pe_m = _fourier_table(MAX_POSITION, HIDDEN)
    pe_d = _fourier_table(MAX_POSITION, HIDDEN)
    alpha = jnp.ones((1,), dtype=jnp.float32)
    beta = jnp.ones((1,), dtype=jnp.float32)
    return {"bayesian_features": bayesian_features, "node_indices": node_indices, "pe_g": pe_g, "pe_m": pe_m, "pe_d": pe_d, "alpha": alpha, "beta": beta}


def reference(bayesian_features, node_indices, pe_g, pe_m, pe_d, alpha, beta):
    # node_type is the string constant 'g' in this configuration -> use pe_g.
    pos_embedding = jnp.take(pe_g, node_indices, axis=0)
    enhanced_features = alpha * bayesian_features + beta * pos_embedding
    return enhanced_features

if __name__ == "__main__":
    import jax
    _d = setup_inputs()
    print(jax.jit(kernel)(*tuple(_d.values())))

</pallas_src>

<mosaic_0001>
#map = affine_map<(d0, d1) -> (0, 0)>
#map1 = affine_map<(d0, d1) -> (0)>
module attributes {stable_mosaic.version = 14 : i64} {
  func.func @_sc_fused(%arg0: i32, %arg1: i32, %arg2: memref<100000x128xf32, #tpu.memory_space<hbm>>, %arg3: memref<1000x100xi32, #tpu.memory_space<hbm>>, %arg4: memref<2048x128xf32, #tpu.memory_space<hbm>>, %arg5: memref<32xf32, #tpu.memory_space<hbm>>, %arg6: memref<100000x128xf32, #tpu.memory_space<hbm>>, %arg7: memref<40x100xi32, #tpu.memory_space<vmem>>, %arg8: memref<200x128xf32, #tpu.memory_space<vmem>>, %arg9: memref<200x128xf32, #tpu.memory_space<vmem>>, %arg10: memref<200x128xf32, #tpu.memory_space<vmem>>, %arg11: memref<200x128xf32, #tpu.memory_space<vmem>>, %arg12: memref<32xf32, #tpu.memory_space<vmem>>, %arg13: memref<!tpu.dma_semaphore, #tpu.memory_space<semaphore_mem>>, %arg14: memref<!tpu.dma_semaphore, #tpu.memory_space<semaphore_mem>>, %arg15: memref<!tpu.dma_semaphore, #tpu.memory_space<semaphore_mem>>, %arg16: memref<!tpu.dma_semaphore, #tpu.memory_space<semaphore_mem>>) attributes {dimension_semantics = [#tpu.dimension_semantics<core_parallel>, #tpu.dimension_semantics<subcore_parallel>], iteration_bounds = array<i64: 2, 16>, scalar_prefetch = 0 : i64, scratch_operands = 10 : i64, tpu.core_type = #tpu.core_type<sc_vector_subcore>, window_params = [{transform_indices = #map}, {transform_indices = #map}, {transform_indices = #map}, {transform_indices = #map1}, {transform_indices = #map}]} {
    %mul3A = arith.constant 50000 : i32
    %mul3A_0 = arith.muli %arg0, %mul3A : i32
    %mul3A_1 = arith.constant 3200 : i32
    %mul3A_2 = arith.muli %arg1, %mul3A_1 : i32
    %add3A = arith.addi %mul3A_0, %mul3A_2 : i32
    %mul3A_3 = arith.constant 500 : i32
    %mul3A_4 = arith.muli %arg0, %mul3A_3 : i32
    %mul3A_5 = arith.constant 32 : i32
    %mul3A_6 = arith.muli %arg1, %mul3A_5 : i32
    %add3A_7 = arith.addi %mul3A_4, %mul3A_6 : i32
    %mul3A_8 = arith.constant 4 : i32
    %mul3A_9 = arith.muli %mul3A_8, %arg0 : i32
    %sub3A = arith.subi %add3A_7, %mul3A_9 : i32
    %multiple_of3A = tpu.assume_multiple %sub3A, 8 : i32
    %lt3A = arith.constant 15 : i32
    %lt3A_10 = arith.cmpi slt, %arg1, %lt3A : i32
    %jit3A = arith.constant 16 : i32
    %jit3A_11 = arith.constant 10 : i32
    %select_n3A = arith.select %lt3A_10, %jit3A, %jit3A_11 : i32
    %lt3A_12 = arith.constant 15 : i32
    %lt3A_13 = arith.cmpi slt, %arg1, %lt3A_12 : i32
    %convert_element_type3A = arith.extui %lt3A_13 : i1 to i32
    %cond3A = arith.constant 0 : i32
    %cond3A_14 = arith.cmpi ne, %convert_element_type3A, %cond3A : i32
    scf.if %cond3A_14 {
      "tpu.region"() ({
        %run_scoped3A = tpu.sem_alloc : memref<!tpu.dma_semaphore, #tpu.memory_space<semaphore_mem>>
        %dma_start3A_94 = arith.constant 0 : i32
        %dma_start3A_95 = tpu.memref_slice %arg3[%multiple_of3A, %dma_start3A_94] : memref<1000x100xi32, #tpu.memory_space<hbm>> -> memref<40x100xi32, #tpu.memory_space<hbm>>
        %dma_start3A_96 = arith.constant 0 : i32
        %dma_start3A_97 = tpu.memref_slice %arg3[%multiple_of3A, %dma_start3A_96] : memref<1000x100xi32, #tpu.memory_space<hbm>> -> memref<40x100xi32, #tpu.memory_space<hbm>>
        tpu.enqueue_dma source(%dma_start3A_97 : memref<40x100xi32, #tpu.memory_space<hbm>>) target(%arg7 : memref<40x100xi32, #tpu.memory_space<vmem>>) target_semaphore(%run_scoped3A : memref<!tpu.dma_semaphore, #tpu.memory_space<semaphore_mem>>)
        %dma_wait3A_98 = arith.constant 0 : i32
        %dma_wait3A_99 = tpu.memref_slice %arg3[%multiple_of3A, %dma_wait3A_98] : memref<1000x100xi32, #tpu.memory_space<hbm>> -> memref<40x100xi32, #tpu.memory_space<hbm>>
        %dma_wait3A_100 = arith.constant 0 : i32
        %dma_wait3A_101 = tpu.memref_slice %arg3[%multiple_of3A, %dma_wait3A_100] : memref<1000x100xi32, #tpu.memory_space<hbm>> -> memref<40x100xi32, #tpu.memory_space<hbm>>
        tpu.wait_dma2 semaphore(%run_scoped3A : memref<!tpu.dma_semaphore, #tpu.memory_space<semaphore_mem>>) src(%dma_wait3A_101 : memref<40x100xi32, #tpu.memory_space<hbm>>) dst(%arg7 : memref<40x100xi32, #tpu.memory_space<vmem>>)
        tpu.yield
      }) : () -> ()
    } else {
    }
    %eq3A = arith.constant 15 : i32
    %eq3A_15 = arith.cmpi eq, %arg1, %eq3A : i32
    %convert_element_type3A_16 = arith.extui %eq3A_15 : i1 to i32
    %cond3A_17 = arith.constant 0 : i32
    %cond3A_18 = arith.cmpi ne, %convert_element_type3A_16, %cond3A_17 : i32
    scf.if %cond3A_18 {
      "tpu.region"() ({
        %run_scoped3A = tpu.sem_alloc : memref<!tpu.dma_semaphore, #tpu.memory_space<semaphore_mem>>
        %dma_start3A_94 = arith.constant 0 : i32
        %dma_start3A_95 = arith.constant 0 : i32
        %dma_start3A_96 = tpu.memref_slice %arg7[%dma_start3A_94, %dma_start3A_95] : memref<40x100xi32, #tpu.memory_space<vmem>> -> memref<24x100xi32, #tpu.memory_space<vmem>>
        %dma_start3A_97 = arith.constant 0 : i32
        %dma_start3A_98 = tpu.memref_slice %arg3[%multiple_of3A, %dma_start3A_97] : memref<1000x100xi32, #tpu.memory_space<hbm>> -> memref<24x100xi32, #tpu.memory_space<hbm>>
        %dma_start3A_99 = arith.constant 0 : i32
        %dma_start3A_100 = arith.constant 0 : i32
        %dma_start3A_101 = tpu.memref_slice %arg7[%dma_start3A_99, %dma_start3A_100] : memref<40x100xi32, #tpu.memory_space<vmem>> -> memref<24x100xi32, #tpu.memory_space<vmem>>
        %dma_start3A_102 = arith.constant 0 : i32
        %dma_start3A_103 = tpu.memref_slice %arg3[%multiple_of3A, %dma_start3A_102] : memref<1000x100xi32, #tpu.memory_space<hbm>> -> memref<24x100xi32, #tpu.memory_space<hbm>>
        tpu.enqueue_dma source(%dma_start3A_103 : memref<24x100xi32, #tpu.memory_space<hbm>>) target(%dma_start3A_101 : memref<24x100xi32, #tpu.memory_space<vmem>>) target_semaphore(%run_scoped3A : memref<!tpu.dma_semaphore, #tpu.memory_space<semaphore_mem>>)
        %dma_wait3A_104 = arith.constant 0 : i32
        %dma_wait3A_105 = arith.constant 0 : i32
        %dma_wait3A_106 = tpu.memref_slice %arg7[%dma_wait3A_104, %dma_wait3A_105] : memref<40x100xi32, #tpu.memory_space<vmem>> -> memref<24x100xi32, #tpu.memory_space<vmem>>
        %dma_wait3A_107 = arith.constant 0 : i32
        %dma_wait3A_108 = tpu.memref_slice %arg3[%multiple_of3A, %dma_wait3A_107] : memref<1000x100xi32, #tpu.memory_space<hbm>> -> memref<24x100xi32, #tpu.memory_space<hbm>>
        %dma_wait3A_109 = arith.constant 0 : i32
        %dma_wait3A_110 = arith.constant 0 : i32
        %dma_wait3A_111 = tpu.memref_slice %arg7[%dma_wait3A_109, %dma_wait3A_110] : memref<40x100xi32, #tpu.memory_space<vmem>> -> memref<24x100xi32, #tpu.memory_space<vmem>>
        %dma_wait3A_112 = arith.constant 0 : i32
        %dma_wait3A_113 = tpu.memref_slice %arg3[%multiple_of3A, %dma_wait3A_112] : memref<1000x100xi32, #tpu.memory_space<hbm>> -> memref<24x100xi32, #tpu.memory_space<hbm>>
        tpu.wait_dma2 semaphore(%run_scoped3A : memref<!tpu.dma_semaphore, #tpu.memory_space<semaphore_mem>>) src(%dma_wait3A_113 : memref<24x100xi32, #tpu.memory_space<hbm>>) dst(%dma_wait3A_111 : memref<24x100xi32, #tpu.memory_space<vmem>>)
        tpu.yield
      }) : () -> ()
    } else {
    }
    "tpu.region"() ({
      %run_scoped3A = tpu.sem_alloc : memref<!tpu.dma_semaphore, #tpu.memory_space<semaphore_mem>>
      tpu.enqueue_dma source(%arg5 : memref<32xf32, #tpu.memory_space<hbm>>) target(%arg12 : memref<32xf32, #tpu.memory_space<vmem>>) target_semaphore(%run_scoped3A : memref<!tpu.dma_semaphore, #tpu.memory_space<semaphore_mem>>)
      tpu.wait_dma2 semaphore(%run_scoped3A : memref<!tpu.dma_semaphore, #tpu.memory_space<semaphore_mem>>) src(%arg5 : memref<32xf32, #tpu.memory_space<hbm>>) dst(%arg12 : memref<32xf32, #tpu.memory_space<vmem>>)
      tpu.yield
    }) : () -> ()
    %get3A = arith.constant 0 : index
    %get3A_19 = tpu.vector_load %arg12[%get3A] {strides = array<i32>} : memref<32xf32, #tpu.memory_space<vmem>>, vector<16xf32>,
    %get3A_20 = vector.shape_cast %get3A_19 : vector<16xf32> to vector<16xf32>
    %get3A_21 = arith.constant 16 : index
    %get3A_22 = tpu.vector_load %arg12[%get3A_21] {strides = array<i32>} : memref<32xf32, #tpu.memory_space<vmem>>, vector<16xf32>,
    %get3A_23 = vector.shape_cast %get3A_22 : vector<16xf32> to vector<16xf32>
    %add3A_24 = arith.constant 0 : i32
    %add3A_25 = arith.addi %add3A, %add3A_24 : i32
    %dma_start3A = arith.constant 0 : i32
    %dma_start3A_26 = tpu.memref_slice %arg2[%add3A_25, %dma_start3A] : memref<100000x128xf32, #tpu.memory_space<hbm>> -> memref<200x128xf32, #tpu.memory_space<hbm>>
    %dma_start3A_27 = arith.constant 0 : i32
    %dma_start3A_28 = tpu.memref_slice %arg2[%add3A_25, %dma_start3A_27] : memref<100000x128xf32, #tpu.memory_space<hbm>> -> memref<200x128xf32, #tpu.memory_space<hbm>>
    tpu.enqueue_dma source(%dma_start3A_28 : memref<200x128xf32, #tpu.memory_space<hbm>>) target(%arg8 : memref<200x128xf32, #tpu.memory_space<vmem>>) target_semaphore(%arg13 : memref<!tpu.dma_semaphore, #tpu.memory_space<semaphore_mem>>)
    %add3A_29 = arith.constant 0 : i32
    %add3A_30 = arith.addi %mul3A_9, %add3A_29 : i32
    %add3A_31 = arith.constant 0 : i32
    %add3A_32 = arith.addi %add3A_30, %add3A_31 : i32
    %dma_start3A_33 = arith.constant 0 : i32
    %dma_start3A_34 = arith.constant 0 : i32
    %dma_start3A_35 = tpu.memref_slice %arg10[%dma_start3A_33, %dma_start3A_34] : memref<200x128xf32, #tpu.memory_space<vmem>> -> memref<100x128xf32, #tpu.memory_space<vmem>>
    %dma_start3A_36 = arith.constant 0 : i32
    %dma_start3A_37 = tpu.memref_slice %arg7[%add3A_32, %dma_start3A_36] : memref<40x100xi32, #tpu.memory_space<vmem>> -> memref<1x100xi32, #tpu.memory_space<vmem>>
    %dma_start3A_38 = tpu.memref_squeeze %dma_start3A_37 : memref<1x100xi32, #tpu.memory_space<vmem>> -> memref<100xi32, #tpu.memory_space<vmem>>
    %dma_start3A_39 = arith.constant 0 : i32
    %dma_start3A_40 = arith.constant 0 : i32
    %dma_start3A_41 = tpu.memref_slice %arg4[%dma_start3A_39, %dma_start3A_40] : memref<2048x128xf32, #tpu.memory_space<hbm>> -> memref<2048x128xf32, #tpu.memory_space<hbm>>
    tpu.enqueue_indirect_dma source(%dma_start3A_41 : memref<2048x128xf32, #tpu.memory_space<hbm>>) target(%dma_start3A_35 : memref<100x128xf32, #tpu.memory_space<vmem>>) offsets(%dma_start3A_38 : memref<100xi32, #tpu.memory_space<vmem>>) semaphore(%arg13 : memref<!tpu.dma_semaphore, #tpu.memory_space<semaphore_mem>>)
    %add3A_42 = arith.constant 0 : i32
    %add3A_43 = arith.addi %mul3A_9, %add3A_42 : i32
    %add3A_44 = arith.constant 1 : i32
    %add3A_45 = arith.addi %add3A_43, %add3A_44 : i32
    %dma_start3A_46 = arith.constant 100 : i32
    %dma_start3A_47 = arith.constant 0 : i32
    %dma_start3A_48 = tpu.memref_slice %arg10[%dma_start3A_46, %dma_start3A_47] : memref<200x128xf32, #tpu.memory_space<vmem>> -> memref<100x128xf32, #tpu.memory_space<vmem>>
    %dma_start3A_49 = arith.constant 0 : i32
    %dma_start3A_50 = tpu.memref_slice %arg7[%add3A_45, %dma_start3A_49] : memref<40x100xi32, #tpu.memory_space<vmem>> -> memref<1x100xi32, #tpu.memory_space<vmem>>
    %dma_start3A_51 = tpu.memref_squeeze %dma_start3A_50 : memref<1x100xi32, #tpu.memory_space<vmem>> -> memref<100xi32, #tpu.memory_space<vmem>>
    %dma_start3A_52 = arith.constant 0 : i32
    %dma_start3A_53 = arith.constant 0 : i32
    %dma_start3A_54 = tpu.memref_slice %arg4[%dma_start3A_52, %dma_start3A_53] : memref<2048x128xf32, #tpu.memory_space<hbm>> -> memref<2048x128xf32, #tpu.memory_space<hbm>>
    tpu.enqueue_indirect_dma source(%dma_start3A_54 : memref<2048x128xf32, #tpu.memory_space<hbm>>) target(%dma_start3A_48 : memref<100x128xf32, #tpu.memory_space<vmem>>) offsets(%dma_start3A_51 : memref<100xi32, #tpu.memory_space<vmem>>) semaphore(%arg13 : memref<!tpu.dma_semaphore, #tpu.memory_space<semaphore_mem>>)
    %jit3A_55 = arith.constant 2 : i32
    %div3A = arith.divsi %select_n3A, %jit3A_55 : i32
    %sign3A = arith.constant 0 : i32
    %sign3A_56 = arith.cmpi sgt, %select_n3A, %sign3A : i32
    %sign3A_57 = arith.extui %sign3A_56 : i1 to i32
    %sign3A_58 = arith.constant 0 : i32
    %sign3A_59 = arith.cmpi slt, %select_n3A, %sign3A_58 : i32
    %sign3A_60 = arith.extui %sign3A_59 : i1 to i32
    %sign3A_61 = arith.subi %sign3A_57, %sign3A_60 : i32
    %sign3A_62 = arith.constant 0 : i32
    %sign3A_63 = arith.cmpi sgt, %jit3A_55, %sign3A_62 : i32
    %sign3A_64 = arith.extui %sign3A_63 : i1 to i32
    %sign3A_65 = arith.constant 0 : i32
    %sign3A_66 = arith.cmpi slt, %jit3A_55, %sign3A_65 : i32
    %sign3A_67 = arith.extui %sign3A_66 : i1 to i32
    %sign3A_68 = arith.subi %sign3A_64, %sign3A_67 : i32
    %ne3A = arith.cmpi ne, %sign3A_61, %sign3A_68 : i32
    %rem3A = arith.remsi %select_n3A, %jit3A_55 : i32
    %ne3A_69 = arith.constant 0 : i32
    %ne3A_70 = arith.cmpi ne, %rem3A, %ne3A_69 : i32
    %and3A = arith.andi %ne3A, %ne3A_70 : i1
    %sub3A_71 = arith.constant 1 : i32
    %sub3A_72 = arith.subi %div3A, %sub3A_71 : i32
    %select_n3A_73 = arith.select %and3A, %sub3A_72, %div3A : i32
    %while3A = arith.constant 0 : i32
    %while3A_74 = arith.constant 0 : i32
    %while3A_75 = arith.subi %select_n3A_73, %while3A_74 : i32
    %while3A_76 = arith.addi %while3A_74, %while3A_75 : i32
    %while3A_77 = arith.constant 1 : i32
    %while3A_78 = arith.divsi %while3A_75, %while3A_77 : i32
    %while3A_79 = arith.muli %while3A_78, %while3A_77 : i32
    %while3A_80 = arith.addi %while3A_74, %while3A_79 : i32
    %while3A_81 = arith.constant 1 : i32
    scf.for %while3A_94 = %while3A_74 to %while3A_80 step %while3A_81  : i32 {
      %mul3A_95 = arith.constant 2 : i32
      %mul3A_96 = arith.muli %mul3A_95, %while3A_94 : i32
      %add3A_97 = arith.constant 1 : i32
      %add3A_98 = arith.addi %mul3A_96, %add3A_97 : i32
      %mul3A_99 = arith.constant 2 : i32
      %mul3A_100 = arith.muli %mul3A_99, %while3A_94 : i32
      %add3A_101 = arith.constant 2 : i32
      %add3A_102 = arith.addi %mul3A_100, %add3A_101 : i32
      %dma_wait3A_103 = arith.constant 0 : i32
      %dma_wait3A_104 = arith.constant 0 : i32
      %dma_wait3A_105 = tpu.memref_slice %arg2[%dma_wait3A_103, %dma_wait3A_104] : memref<100000x128xf32, #tpu.memory_space<hbm>> -> memref<200x128xf32, #tpu.memory_space<hbm>>
      %dma_wait3A_106 = arith.constant 0 : i32
      %dma_wait3A_107 = arith.constant 0 : i32
      %dma_wait3A_108 = tpu.memref_slice %arg2[%dma_wait3A_106, %dma_wait3A_107] : memref<100000x128xf32, #tpu.memory_space<hbm>> -> memref<200x128xf32, #tpu.memory_space<hbm>>
      tpu.wait_dma2 semaphore(%arg13 : memref<!tpu.dma_semaphore, #tpu.memory_space<semaphore_mem>>) src(%dma_wait3A_108 : memref<200x128xf32, #tpu.memory_space<hbm>>) dst(%arg8 : memref<200x128xf32, #tpu.memory_space<vmem>>)
      %dma_wait3A_109 = arith.constant 0 : i32
      %dma_wait3A_110 = arith.constant 0 : i32
      %dma_wait3A_111 = tpu.memref_slice %arg2[%dma_wait3A_109, %dma_wait3A_110] : memref<100000x128xf32, #tpu.memory_space<hbm>> -> memref<200x128xf32, #tpu.memory_space<hbm>>
      %dma_wait3A_112 = arith.constant 0 : i32
      %dma_wait3A_113 = arith.constant 0 : i32
      %dma_wait3A_114 = tpu.memref_slice %arg2[%dma_wait3A_112, %dma_wait3A_113] : memref<100000x128xf32, #tpu.memory_space<hbm>> -> memref<200x128xf32, #tpu.memory_space<hbm>>
      tpu.wait_dma2 semaphore(%arg13 : memref<!tpu.dma_semaphore, #tpu.memory_space<semaphore_mem>>) src(%dma_wait3A_114 : memref<200x128xf32, #tpu.memory_space<hbm>>) dst(%arg10 : memref<200x128xf32, #tpu.memory_space<vmem>>)
      %gt3A = arith.constant 0 : i32
      %gt3A_115 = arith.cmpi sgt, %while3A_94, %gt3A : i32
      %convert_element_type3A_116 = arith.extui %gt3A_115 : i1 to i32
      %cond3A_117 = arith.constant 0 : i32
      %cond3A_118 = arith.cmpi ne, %convert_element_type3A_116, %cond3A_117 : i32
      scf.if %cond3A_118 {
        %dma_wait3A_197 = arith.constant 0 : i32
        %dma_wait3A_198 = arith.constant 0 : i32
        %dma_wait3A_199 = tpu.memref_slice %arg6[%dma_wait3A_197, %dma_wait3A_198] : memref<100000x128xf32, #tpu.memory_space<hbm>> -> memref<200x128xf32, #tpu.memory_space<hbm>>
        %dma_wait3A_200 = arith.constant 0 : i32
        %dma_wait3A_201 = arith.constant 0 : i32
        %dma_wait3A_202 = tpu.memref_slice %arg6[%dma_wait3A_200, %dma_wait3A_201] : memref<100000x128xf32, #tpu.memory_space<hbm>> -> memref<200x128xf32, #tpu.memory_space<hbm>>
        tpu.wait_dma2 semaphore(%arg16 : memref<!tpu.dma_semaphore, #tpu.memory_space<semaphore_mem>>) src(%arg9 : memref<200x128xf32, #tpu.memory_space<vmem>>) dst(%dma_wait3A_202 : memref<200x128xf32, #tpu.memory_space<hbm>>)
      } else {
      }
      %mul3A_119 = arith.constant 200 : i32
      %mul3A_120 = arith.muli %add3A_98, %mul3A_119 : i32
      %add3A_121 = arith.addi %add3A, %mul3A_120 : i32
      %dma_start3A_122 = arith.constant 0 : i32
      %dma_start3A_123 = tpu.memref_slice %arg2[%add3A_121, %dma_start3A_122] : memref<100000x128xf32, #tpu.memory_space<hbm>> -> memref<200x128xf32, #tpu.memory_space<hbm>>
      %dma_start3A_124 = arith.constant 0 : i32
      %dma_start3A_125 = tpu.memref_slice %arg2[%add3A_121, %dma_start3A_124] : memref<100000x128xf32, #tpu.memory_space<hbm>> -> memref<200x128xf32, #tpu.memory_space<hbm>>
      tpu.enqueue_dma source(%dma_start3A_125 : memref<200x128xf32, #tpu.memory_space<hbm>>) target(%arg9 : memref<200x128xf32, #tpu.memory_space<vmem>>) target_semaphore(%arg14 : memref<!tpu.dma_semaphore, #tpu.memory_space<semaphore_mem>>)
      %mul3A_126 = arith.constant 2 : i32
      %mul3A_127 = arith.muli %add3A_98, %mul3A_126 : i32
      %add3A_128 = arith.addi %mul3A_9, %mul3A_127 : i32
      %add3A_129 = arith.constant 0 : i32
      %add3A_130 = arith.addi %add3A_128, %add3A_129 : i32
      %dma_start3A_131 = arith.constant 0 : i32
      %dma_start3A_132 = arith.constant 0 : i32
      %dma_start3A_133 = tpu.memref_slice %arg11[%dma_start3A_131, %dma_start3A_132] : memref<200x128xf32, #tpu.memory_space<vmem>> -> memref<100x128xf32, #tpu.memory_space<vmem>>
      %dma_start3A_134 = arith.constant 0 : i32
      %dma_start3A_135 = tpu.memref_slice %arg7[%add3A_130, %dma_start3A_134] : memref<40x100xi32, #tpu.memory_space<vmem>> -> memref<1x100xi32, #tpu.memory_space<vmem>>
      %dma_start3A_136 = tpu.memref_squeeze %dma_start3A_135 : memref<1x100xi32, #tpu.memory_space<vmem>> -> memref<100xi32, #tpu.memory_space<vmem>>
      %dma_start3A_137 = arith.constant 0 : i32
      %dma_start3A_138 = arith.constant 0 : i32
      %dma_start3A_139 = tpu.memref_slice %arg4[%dma_start3A_137, %dma_start3A_138] : memref<2048x128xf32, #tpu.memory_space<hbm>> -> memref<2048x128xf32, #tpu.memory_space<hbm>>
      tpu.enqueue_indirect_dma source(%dma_start3A_139 : memref<2048x128xf32, #tpu.memory_space<hbm>>) target(%dma_start3A_133 : memref<100x128xf32, #tpu.memory_space<vmem>>) offsets(%dma_start3A_136 : memref<100xi32, #tpu.memory_space<vmem>>) semaphore(%arg14 : memref<!tpu.dma_semaphore, #tpu.memory_space<semaphore_mem>>)
      %mul3A_140 = arith.constant 2 : i32
      %mul3A_141 = arith.muli %add3A_98, %mul3A_140 : i32
      %add3A_142 = arith.addi %mul3A_9, %mul3A_141 : i32
      %add3A_143 = arith.constant 1 : i32
      %add3A_144 = arith.addi %add3A_142, %add3A_143 : i32
      %dma_start3A_145 = arith.constant 100 : i32
      %dma_start3A_146 = arith.constant 0 : i32
      %dma_start3A_147 = tpu.memref_slice %arg11[%dma_start3A_145, %dma_start3A_146] : memref<200x128xf32, #tpu.memory_space<vmem>> -> memref<100x128xf32, #tpu.memory_space<vmem>>
      %dma_start3A_148 = arith.constant 0 : i32
      %dma_start3A_149 = tpu.memref_slice %arg7[%add3A_144, %dma_start3A_148] : memref<40x100xi32, #tpu.memory_space<vmem>> -> memref<1x100xi32, #tpu.memory_space<vmem>>
      %dma_start3A_150 = tpu.memref_squeeze %dma_start3A_149 : memref<1x100xi32, #tpu.memory_space<vmem>> -> memref<100xi32, #tpu.memory_space<vmem>>
      %dma_start3A_151 = arith.constant 0 : i32
      %dma_start3A_152 = arith.constant 0 : i32
      %dma_start3A_153 = tpu.memref_slice %arg4[%dma_start3A_151, %dma_start3A_152] : memref<2048x128xf32, #tpu.memory_space<hbm>> -> memref<2048x128xf32, #tpu.memory_space<hbm>>
      tpu.enqueue_indirect_dma source(%dma_start3A_153 : memref<2048x128xf32, #tpu.memory_space<hbm>>) target(%dma_start3A_147 : memref<100x128xf32, #tpu.memory_space<vmem>>) offsets(%dma_start3A_150 : memref<100xi32, #tpu.memory_space<vmem>>) semaphore(%arg14 : memref<!tpu.dma_semaphore, #tpu.memory_space<semaphore_mem>>)
      %mul3A_154 = arith.constant 2 : i32
      %mul3A_155 = arith.muli %mul3A_154, %while3A_94 : i32
      %scan3A = arith.constant 0 : i32
      %scan3A_156 = arith.constant 0 : i32
      %scan3A_157 = arith.constant 200 : i32
      %scan3A_158 = arith.addi %scan3A_156, %scan3A_157 : i32
      %scan3A_159 = arith.constant 1 : i32
      scf.for %scan3A_197 = %scan3A_156 to %scan3A_158 step %scan3A_159  : i32 {
        %get3A_198 = arith.index_cast %scan3A_197 : i32 to index
        %get3A_199 = arith.constant 0 : index
        %get3A_200 = tpu.vector_load %arg8[%get3A_198, %get3A_199] {strides = array<i32>} : memref<200x128xf32, #tpu.memory_space<vmem>>, vector<1x16xf32>,
        %get3A_201 = vector.shape_cast %get3A_200 : vector<1x16xf32> to vector<16xf32>
        %mul3A_202 = arith.mulf %get3A_20, %get3A_201 : vector<16xf32>
        %get3A_203 = arith.index_cast %scan3A_197 : i32 to index
        %get3A_204 = arith.constant 0 : index
        %get3A_205 = tpu.vector_load %arg10[%get3A_203, %get3A_204] {strides = array<i32>} : memref<200x128xf32, #tpu.memory_space<vmem>>, vector<1x16xf32>,
        %get3A_206 = vector.shape_cast %get3A_205 : vector<1x16xf32> to vector<16xf32>
        %mul3A_207 = arith.mulf %get3A_23, %get3A_206 : vector<16xf32>
        %add3A_208 = arith.addf %mul3A_202, %mul3A_207 : vector<16xf32>
        %swap3A = arith.index_cast %scan3A_197 : i32 to index
        %swap3A_209 = arith.constant 0 : index
        %swap3A_210 = tpu.vector_load %arg8[%swap3A, %swap3A_209] {strides = array<i32>} : memref<200x128xf32, #tpu.memory_space<vmem>>, vector<1x16xf32>,
        %swap3A_211 = vector.shape_cast %swap3A_210 : vector<1x16xf32> to vector<16xf32>
        %swap3A_212 = vector.shape_cast %add3A_208 : vector<16xf32> to vector<1x16xf32>
        tpu.vector_store %arg8[%swap3A, %swap3A_209], %swap3A_212 {strides = array<i32>} : memref<200x128xf32, #tpu.memory_space<vmem>>, vector<1x16xf32>,
        %get3A_213 = arith.index_cast %scan3A_197 : i32 to index
        %get3A_214 = arith.constant 16 : index
        %get3A_215 = tpu.vector_load %arg8[%get3A_213, %get3A_214] {strides = array<i32>} : memref<200x128xf32, #tpu.memory_space<vmem>>, vector<1x16xf32>,
        %get3A_216 = vector.shape_cast %get3A_215 : vector<1x16xf32> to vector<16xf32>
        %mul3A_217 = arith.mulf %get3A_20, %get3A_216 : vector<16xf32>
        %get3A_218 = arith.index_cast %scan3A_197 : i32 to index
        %get3A_219 = arith.constant 16 : index
        %get3A_220 = tpu.vector_load %arg10[%get3A_218, %get3A_219] {strides = array<i32>} : memref<200x128xf32, #tpu.memory_space<vmem>>, vector<1x16xf32>,
        %get3A_221 = vector.shape_cast %get3A_220 : vector<1x16xf32> to vector<16xf32>
        %mul3A_222 = arith.mulf %get3A_23, %get3A_221 : vector<16xf32>
        %add3A_223 = arith.addf %mul3A_217, %mul3A_222 : vector<16xf32>
        %swap3A_224 = arith.index_cast %scan3A_197 : i32 to index
        %swap3A_225 = arith.constant 16 : index
        %swap3A_226 = tpu.vector_load %arg8[%swap3A_224, %swap3A_225] {strides = array<i32>} : memref<200x128xf32, #tpu.memory_space<vmem>>, vector<1x16xf32>,
        %swap3A_227 = vector.shape_cast %swap3A_226 : vector<1x16xf32> to vector<16xf32>
        %swap3A_228 = vector.shape_cast %add3A_223 : vector<16xf32> to vector<1x16xf32>
        tpu.vector_store %arg8[%swap3A_224, %swap3A_225], %swap3A_228 {strides = array<i32>} : memref<200x128xf32, #tpu.memory_space<vmem>>, vector<1x16xf32>,
        %get3A_229 = arith.index_cast %scan3A_197 : i32 to index
        %get3A_230 = arith.constant 32 : index
        %get3A_231 = tpu.vector_load %arg8[%get3A_229, %get3A_230] {strides = array<i32>} : memref<200x128xf32, #tpu.memory_space<vmem>>, vector<1x16xf32>,
        %get3A_232 = vector.shape_cast %get3A_231 : vector<1x16xf32> to vector<16xf32>
        %mul3A_233 = arith.mulf %get3A_20, %get3A_232 : vector<16xf32>
        %get3A_234 = arith.index_cast %scan3A_197 : i32 to index
        %get3A_235 = arith.constant 32 : index
        %get3A_236 = tpu.vector_load %arg10[%get3A_234, %get3A_235] {strides = array<i32>} : memref<200x128xf32, #tpu.memory_space<vmem>>, vector<1x16xf32>,
        %get3A_237 = vector.shape_cast %get3A_236 : vector<1x16xf32> to vector<16xf32>
        %mul3A_238 = arith.mulf %get3A_23, %get3A_237 : vector<16xf32>
        %add3A_239 = arith.addf %mul3A_233, %mul3A_238 : vector<16xf32>
        %swap3A_240 = arith.index_cast %scan3A_197 : i32 to index
        %swap3A_241 = arith.constant 32 : index
        %swap3A_242 = tpu.vector_load %arg8[%swap3A_240, %swap3A_241] {strides = array<i32>} : memref<200x128xf32, #tpu.memory_space<vmem>>, vector<1x16xf32>,
        %swap3A_243 = vector.shape_cast %swap3A_242 : vector<1x16xf32> to vector<16xf32>
        %swap3A_244 = vector.shape_cast %add3A_239 : vector<16xf32> to vector<1x16xf32>
        tpu.vector_store %arg8[%swap3A_240, %swap3A_241], %swap3A_244 {strides = array<i32>} : memref<200x128xf32, #tpu.memory_space<vmem>>, vector<1x16xf32>,
        %get3A_245 = arith.index_cast %scan3A_197 : i32 to index
        %get3A_246 = arith.constant 48 : index
        %get3A_247 = tpu.vector_load %arg8[%get3A_245, %get3A_246] {strides = array<i32>} : memref<200x128xf32, #tpu.memory_space<vmem>>, vector<1x16xf32>,
        %get3A_248 = vector.shape_cast %get3A_247 : vector<1x16xf32> to vector<16xf32>
        %mul3A_249 = arith.mulf %get3A_20, %get3A_248 : vector<16xf32>
        %get3A_250 = arith.index_cast %scan3A_197 : i32 to index
        %get3A_251 = arith.constant 48 : index
        %get3A_252 = tpu.vector_load %arg10[%get3A_250, %get3A_251] {strides = array<i32>} : memref<200x128xf32, #tpu.memory_space<vmem>>, vector<1x16xf32>,
        %get3A_253 = vector.shape_cast %get3A_252 : vector<1x16xf32> to vector<16xf32>
        %mul3A_254 = arith.mulf %get3A_23, %get3A_253 : vector<16xf32>
        %add3A_255 = arith.addf %mul3A_249, %mul3A_254 : vector<16xf32>
        %swap3A_256 = arith.index_cast %scan3A_197 : i32 to index
        %swap3A_257 = arith.constant 48 : index
        %swap3A_258 = tpu.vector_load %arg8[%swap3A_256, %swap3A_257] {strides = array<i32>} : memref<200x128xf32, #tpu.memory_space<vmem>>, vector<1x16xf32>,
        %swap3A_259 = vector.shape_cast %swap3A_258 : vector<1x16xf32> to vector<16xf32>
        %swap3A_260 = vector.shape_cast %add3A_255 : vector<16xf32> to vector<1x16xf32>
        tpu.vector_store %arg8[%swap3A_256, %swap3A_257], %swap3A_260 {strides = array<i32>} : memref<200x128xf32, #tpu.memory_space<vmem>>, vector<1x16xf32>,
        %get3A_261 = arith.index_cast %scan3A_197 : i32 to index
        %get3A_262 = arith.constant 64 : index
        %get3A_263 = tpu.vector_load %arg8[%get3A_261, %get3A_262] {strides = array<i32>} : memref<200x128xf32, #tpu.memory_space<vmem>>, vector<1x16xf32>,
        %get3A_264 = vector.shape_cast %get3A_263 : vector<1x16xf32> to vector<16xf32>
        %mul3A_265 = arith.mulf %get3A_20, %get3A_264 : vector<16xf32>
        %get3A_266 = arith.index_cast %scan3A_197 : i32 to index
        %get3A_267 = arith.constant 64 : index
        %get3A_268 = tpu.vector_load %arg10[%get3A_266, %get3A_267] {strides = array<i32>} : memref<200x128xf32, #tpu.memory_space<vmem>>, vector<1x16xf32>,
        %get3A_269 = vector.shape_cast %get3A_268 : vector<1x16xf32> to vector<16xf32>
        %mul3A_270 = arith.mulf %get3A_23, %get3A_269 : vector<16xf32>
        %add3A_271 = arith.addf %mul3A_265, %mul3A_270 : vector<16xf32>
        %swap3A_272 = arith.index_cast %scan3A_197 : i32 to index
        %swap3A_273 = arith.constant 64 : index
        %swap3A_274 = tpu.vector_load %arg8[%swap3A_272, %swap3A_273] {strides = array<i32>} : memref<200x128xf32, #tpu.memory_space<vmem>>, vector<1x16xf32>,
        %swap3A_275 = vector.shape_cast %swap3A_274 : vector<1x16xf32> to vector<16xf32>
        %swap3A_276 = vector.shape_cast %add3A_271 : vector<16xf32> to vector<1x16xf32>
        tpu.vector_store %arg8[%swap3A_272, %swap3A_273], %swap3A_276 {strides = array<i32>} : memref<200x128xf32, #tpu.memory_space<vmem>>, vector<1x16xf32>,
        %get3A_277 = arith.index_cast %scan3A_197 : i32 to index
        %get3A_278 = arith.constant 80 : index
        %get3A_279 = tpu.vector_load %arg8[%get3A_277, %get3A_278] {strides = array<i32>} : memref<200x128xf32, #tpu.memory_space<vmem>>, vector<1x16xf32>,
        %get3A_280 = vector.shape_cast %get3A_279 : vector<1x16xf32> to vector<16xf32>
        %mul3A_281 = arith.mulf %get3A_20, %get3A_280 : vector<16xf32>
        %get3A_282 = arith.index_cast %scan3A_197 : i32 to index
        %get3A_283 = arith.constant 80 : index
        %get3A_284 = tpu.vector_load %arg10[%get3A_282, %get3A_283] {strides = array<i32>} : memref<200x128xf32, #tpu.memory_space<vmem>>, vector<1x16xf32>,
        %get3A_285 = vector.shape_cast %get3A_284 : vector<1x16xf32> to vector<16xf32>
        %mul3A_286 = arith.mulf %get3A_23, %get3A_285 : vector<16xf32>
        %add3A_287 = arith.addf %mul3A_281, %mul3A_286 : vector<16xf32>
        %swap3A_288 = arith.index_cast %scan3A_197 : i32 to index
        %swap3A_289 = arith.constant 80 : index
        %swap3A_290 = tpu.vector_load %arg8[%swap3A_288, %swap3A_289] {strides = array<i32>} : memref<200x128xf32, #tpu.memory_space<vmem>>, vector<1x16xf32>,
        %swap3A_291 = vector.shape_cast %swap3A_290 : vector<1x16xf32> to vector<16xf32>
        %swap3A_292 = vector.shape_cast %add3A_287 : vector<16xf32> to vector<1x16xf32>
        tpu.vector_store %arg8[%swap3A_288, %swap3A_289], %swap3A_292 {strides = array<i32>} : memref<200x128xf32, #tpu.memory_space<vmem>>, vector<1x16xf32>,
        %get3A_293 = arith.index_cast %scan3A_197 : i32 to index
        %get3A_294 = arith.constant 96 : index
        %get3A_295 = tpu.vector_load %arg8[%get3A_293, %get3A_294] {strides = array<i32>} : memref<200x128xf32, #tpu.memory_space<vmem>>, vector<1x16xf32>,
        %get3A_296 = vector.shape_cast %get3A_295 : vector<1x16xf32> to vector<16xf32>
        %mul3A_297 = arith.mulf %get3A_20, %get3A_296 : vector<16xf32>
        %get3A_298 = arith.index_cast %scan3A_197 : i32 to index
        %get3A_299 = arith.constant 96 : index
        %get3A_300 = tpu.vector_load %arg10[%get3A_298, %get3A_299] {strides = array<i32>} : memref<200x128xf32, #tpu.memory_space<vmem>>, vector<1x16xf32>,
        %get3A_301 = vector.shape_cast %get3A_300 : vector<1x16xf32> to vector<16xf32>
        %mul3A_302 = arith.mulf %get3A_23, %get3A_301 : vector<16xf32>
        %add3A_303 = arith.addf %mul3A_297, %mul3A_302 : vector<16xf32>
        %swap3A_304 = arith.index_cast %scan3A_197 : i32 to index
        %swap3A_305 = arith.constant 96 : index
        %swap3A_306 = tpu.vector_load %arg8[%swap3A_304, %swap3A_305] {strides = array<i32>} : memref<200x128xf32, #tpu.memory_space<vmem>>, vector<1x16xf32>,
        %swap3A_307 = vector.shape_cast %swap3A_306 : vector<1x16xf32> to vector<16xf32>
        %swap3A_308 = vector.shape_cast %add3A_303 : vector<16xf32> to vector<1x16xf32>
        tpu.vector_store %arg8[%swap3A_304, %swap3A_305], %swap3A_308 {strides = array<i32>} : memref<200x128xf32, #tpu.memory_space<vmem>>, vector<1x16xf32>,
        %get3A_309 = arith.index_cast %scan3A_197 : i32 to index
        %get3A_310 = arith.constant 112 : index
        %get3A_311 = tpu.vector_load %arg8[%get3A_309, %get3A_310] {strides = array<i32>} : memref<200x128xf32, #tpu.memory_space<vmem>>, vector<1x16xf32>,
        %get3A_312 = vector.shape_cast %get3A_311 : vector<1x16xf32> to vector<16xf32>
        %mul3A_313 = arith.mulf %get3A_20, %get3A_312 : vector<16xf32>
        %get3A_314 = arith.index_cast %scan3A_197 : i32 to index
        %get3A_315 = arith.constant 112 : index
        %get3A_316 = tpu.vector_load %arg10[%get3A_314, %get3A_315] {strides = array<i32>} : memref<200x128xf32, #tpu.memory_space<vmem>>, vector<1x16xf32>,
        %get3A_317 = vector.shape_cast %get3A_316 : vector<1x16xf32> to vector<16xf32>
        %mul3A_318 = arith.mulf %get3A_23, %get3A_317 : vector<16xf32>
        %add3A_319 = arith.addf %mul3A_313, %mul3A_318 : vector<16xf32>
        %swap3A_320 = arith.index_cast %scan3A_197 : i32 to index
        %swap3A_321 = arith.constant 112 : index
        %swap3A_322 = tpu.vector_load %arg8[%swap3A_320, %swap3A_321] {strides = array<i32>} : memref<200x128xf32, #tpu.memory_space<vmem>>, vector<1x16xf32>,
        %swap3A_323 = vector.shape_cast %swap3A_322 : vector<1x16xf32> to vector<16xf32>
        %swap3A_324 = vector.shape_cast %add3A_319 : vector<16xf32> to vector<1x16xf32>
        tpu.vector_store %arg8[%swap3A_320, %swap3A_321], %swap3A_324 {strides = array<i32>} : memref<200x128xf32, #tpu.memory_space<vmem>>, vector<1x16xf32>,
      }
      %scan3A_160 = arith.constant 200 : i32
      %mul3A_161 = arith.constant 200 : i32
      %mul3A_162 = arith.muli %mul3A_155, %mul3A_161 : i32
      %add3A_163 = arith.addi %add3A, %mul3A_162 : i32
      %dma_start3A_164 = arith.constant 0 : i32
      %dma_start3A_165 = tpu.memref_slice %arg6[%add3A_163, %dma_start3A_164] : memref<100000x128xf32, #tpu.memory_space<hbm>> -> memref<200x128xf32, #tpu.memory_space<hbm>>
      %dma_start3A_166 = arith.constant 0 : i32
      %dma_start3A_167 = tpu.memref_slice %arg6[%add3A_163, %dma_start3A_166] : memref<100000x128xf32, #tpu.memory_space<hbm>> -> memref<200x128xf32, #tpu.memory_space<hbm>>
      tpu.enqueue_dma source(%arg8 : memref<200x128xf32, #tpu.memory_space<vmem>>) target(%dma_start3A_167 : memref<200x128xf32, #tpu.memory_space<hbm>>) target_semaphore(%arg15 : memref<!tpu.dma_semaphore, #tpu.memory_space<semaphore_mem>>)
      %dma_wait3A_168 = arith.constant 0 : i32
      %dma_wait3A_169 = arith.constant 0 : i32
      %dma_wait3A_170 = tpu.memref_slice %arg2[%dma_wait3A_168, %dma_wait3A_169] : memref<100000x128xf32, #tpu.memory_space<hbm>> -> memref<200x128xf32, #tpu.memory_space<hbm>>
      %dma_wait3A_171 = arith.constant 0 : i32
      %dma_wait3A_172 = arith.constant 0 : i32
      %dma_wait3A_173 = tpu.memref_slice %arg2[%dma_wait3A_171, %dma_wait3A_172] : memref<100000x128xf32, #tpu.memory_space<hbm>> -> memref<200x128xf32, #tpu.memory_space<hbm>>
      tpu.wait_dma2 semaphore(%arg14 : memref<!tpu.dma_semaphore, #tpu.memory_space<semaphore_mem>>) src(%dma_wait3A_173 : memref<200x128xf32, #tpu.memory_space<hbm>>) dst(%arg9 : memref<200x128xf32, #tpu.memory_space<vmem>>)
      %dma_wait3A_174 = arith.constant 0 : i32
      %dma_wait3A_175 = arith.constant 0 : i32
      %dma_wait3A_176 = tpu.memref_slice %arg2[%dma_wait3A_174, %dma_wait3A_175] : memref<100000x128xf32, #tpu.memory_space<hbm>> -> memref<200x128xf32, #tpu.memory_space<hbm>>
      %dma_wait3A_177 = arith.constant 0 : i32
      %dma_wait3A_178 = arith.constant 0 : i32
      %dma_wait3A_179 = tpu.memref_slice %arg2[%dma_wait3A_177, %dma_wait3A_178] : memref<100000x128xf32, #tpu.memory_space<hbm>> -> memref<200x128xf32, #tpu.memory_space<hbm>>
      tpu.wait_dma2 semaphore(%arg14 : memref<!tpu.dma_semaphore, #tpu.memory_space<semaphore_mem>>) src(%dma_wait3A_179 : memref<200x128xf32, #tpu.memory_space<hbm>>) dst(%arg11 : memref<200x128xf32, #tpu.memory_space<vmem>>)
      %lt3A_180 = arith.cmpi slt, %add3A_102, %select_n3A : i32
      %convert_element_type3A_181 = arith.extui %lt3A_180 : i1 to i32
      %cond3A_182 = arith.constant 0 : i32
      %cond3A_183 = arith.cmpi ne, %convert_element_type3A_181, %cond3A_182 : i32
      scf.if %cond3A_183 {
        %dma_wait3A_197 = arith.constant 0 : i32
        %dma_wait3A_198 = arith.constant 0 : i32
        %dma_wait3A_199 = tpu.memref_slice %arg6[%dma_wait3A_197, %dma_wait3A_198] : memref<100000x128xf32, #tpu.memory_space<hbm>> -> memref<200x128xf32, #tpu.memory_space<hbm>>
        %dma_wait3A_200 = arith.constant 0 : i32
        %dma_wait3A_201 = arith.constant 0 : i32
        %dma_wait3A_202 = tpu.memref_slice %arg6[%dma_wait3A_200, %dma_wait3A_201] : memref<100000x128xf32, #tpu.memory_space<hbm>> -> memref<200x128xf32, #tpu.memory_space<hbm>>
        tpu.wait_dma2 semaphore(%arg15 : memref<!tpu.dma_semaphore, #tpu.memory_space<semaphore_mem>>) src(%arg8 : memref<200x128xf32, #tpu.memory_space<vmem>>) dst(%dma_wait3A_202 : memref<200x128xf32, #tpu.memory_space<hbm>>)
        %mul3A_203 = arith.constant 200 : i32
        %mul3A_204 = arith.muli %add3A_102, %mul3A_203 : i32
        %add3A_205 = arith.addi %add3A, %mul3A_204 : i32
        %dma_start3A_206 = arith.constant 0 : i32
        %dma_start3A_207 = tpu.memref_slice %arg2[%add3A_205, %dma_start3A_206] : memref<100000x128xf32, #tpu.memory_space<hbm>> -> memref<200x128xf32, #tpu.memory_space<hbm>>
        %dma_start3A_208 = arith.constant 0 : i32
        %dma_start3A_209 = tpu.memref_slice %arg2[%add3A_205, %dma_start3A_208] : memref<100000x128xf32, #tpu.memory_space<hbm>> -> memref<200x128xf32, #tpu.memory_space<hbm>>
        tpu.enqueue_dma source(%dma_start3A_209 : memref<200x128xf32, #tpu.memory_space<hbm>>) target(%arg8 : memref<200x128xf32, #tpu.memory_space<vmem>>) target_semaphore(%arg13 : memref<!tpu.dma_semaphore, #tpu.memory_space<semaphore_mem>>)
        %mul3A_210 = arith.constant 2 : i32
        %mul3A_211 = arith.muli %add3A_102, %mul3A_210 : i32
        %add3A_212 = arith.addi %mul3A_9, %mul3A_211 : i32
        %add3A_213 = arith.constant 0 : i32
        %add3A_214 = arith.addi %add3A_212, %add3A_213 : i32
        %dma_start3A_215 = arith.constant 0 : i32
        %dma_start3A_216 = arith.constant 0 : i32
        %dma_start3A_217 = tpu.memref_slice %arg10[%dma_start3A_215, %dma_start3A_216] : memref<200x128xf32, #tpu.memory_space<vmem>> -> memref<100x128xf32, #tpu.memory_space<vmem>>
        %dma_start3A_218 = arith.constant 0 : i32
        %dma_start3A_219 = tpu.memref_slice %arg7[%add3A_214, %dma_start3A_218] : memref<40x100xi32, #tpu.memory_space<vmem>> -> memref<1x100xi32, #tpu.memory_space<vmem>>
        %dma_start3A_220 = tpu.memref_squeeze %dma_start3A_219 : memref<1x100xi32, #tpu.memory_space<vmem>> -> memref<100xi32, #tpu.memory_space<vmem>>
        %dma_start3A_221 = arith.constant 0 : i32
        %dma_start3A_222 = arith.constant 0 : i32
        %dma_start3A_223 = tpu.memref_slice %arg4[%dma_start3A_221, %dma_start3A_222] : memref<2048x128xf32, #tpu.memory_space<hbm>> -> memref<2048x128xf32, #tpu.memory_space<hbm>>
        tpu.enqueue_indirect_dma source(%dma_start3A_223 : memref<2048x128xf32, #tpu.memory_space<hbm>>) target(%dma_start3A_217 : memref<100x128xf32, #tpu.memory_space<vmem>>) offsets(%dma_start3A_220 : memref<100xi32, #tpu.memory_space<vmem>>) semaphore(%arg13 : memref<!tpu.dma_semaphore, #tpu.memory_space<semaphore_mem>>)
        %mul3A_224 = arith.constant 2 : i32
        %mul3A_225 = arith.muli %add3A_102, %mul3A_224 : i32
        %add3A_226 = arith.addi %mul3A_9, %mul3A_225 : i32
        %add3A_227 = arith.constant 1 : i32
        %add3A_228 = arith.addi %add3A_226, %add3A_227 : i32
        %dma_start3A_229 = arith.constant 100 : i32
        %dma_start3A_230 = arith.constant 0 : i32
        %dma_start3A_231 = tpu.memref_slice %arg10[%dma_start3A_229, %dma_start3A_230] : memref<200x128xf32, #tpu.memory_space<vmem>> -> memref<100x128xf32, #tpu.memory_space<vmem>>
        %dma_start3A_232 = arith.constant 0 : i32
        %dma_start3A_233 = tpu.memref_slice %arg7[%add3A_228, %dma_start3A_232] : memref<40x100xi32, #tpu.memory_space<vmem>> -> memref<1x100xi32, #tpu.memory_space<vmem>>
        %dma_start3A_234 = tpu.memref_squeeze %dma_start3A_233 : memref<1x100xi32, #tpu.memory_space<vmem>> -> memref<100xi32, #tpu.memory_space<vmem>>
        %dma_start3A_235 = arith.constant 0 : i32
        %dma_start3A_236 = arith.constant 0 : i32
        %dma_start3A_237 = tpu.memref_slice %arg4[%dma_start3A_235, %dma_start3A_236] : memref<2048x128xf32, #tpu.memory_space<hbm>> -> memref<2048x128xf32, #tpu.memory_space<hbm>>
        tpu.enqueue_indirect_dma source(%dma_start3A_237 : memref<2048x128xf32, #tpu.memory_space<hbm>>) target(%dma_start3A_231 : memref<100x128xf32, #tpu.memory_space<vmem>>) offsets(%dma_start3A_234 : memref<100xi32, #tpu.memory_space<vmem>>) semaphore(%arg13 : memref<!tpu.dma_semaphore, #tpu.memory_space<semaphore_mem>>)
      } else {
      }
      %scan3A_184 = arith.constant 0 : i32
      %scan3A_185 = arith.constant 0 : i32
      %scan3A_186 = arith.constant 200 : i32
      %scan3A_187 = arith.addi %scan3A_185, %scan3A_186 : i32
      %scan3A_188 = arith.constant 1 : i32
      scf.for %scan3A_197 = %scan3A_185 to %scan3A_187 step %scan3A_188  : i32 {
        %get3A_198 = arith.index_cast %scan3A_197 : i32 to index
        %get3A_199 = arith.constant 0 : index
        %get3A_200 = tpu.vector_load %arg9[%get3A_198, %get3A_199] {strides = array<i32>} : memref<200x128xf32, #tpu.memory_space<vmem>>, vector<1x16xf32>,
        %get3A_201 = vector.shape_cast %get3A_200 : vector<1x16xf32> to vector<16xf32>
        %mul3A_202 = arith.mulf %get3A_20, %get3A_201 : vector<16xf32>
        %get3A_203 = arith.index_cast %scan3A_197 : i32 to index
        %get3A_204 = arith.constant 0 : index
        %get3A_205 = tpu.vector_load %arg11[%get3A_203, %get3A_204] {strides = array<i32>} : memref<200x128xf32, #tpu.memory_space<vmem>>, vector<1x16xf32>,
        %get3A_206 = vector.shape_cast %get3A_205 : vector<1x16xf32> to vector<16xf32>
        %mul3A_207 = arith.mulf %get3A_23, %get3A_206 : vector<16xf32>
        %add3A_208 = arith.addf %mul3A_202, %mul3A_207 : vector<16xf32>
        %swap3A = arith.index_cast %scan3A_197 : i32 to index
        %swap3A_209 = arith.constant 0 : index
        %swap3A_210 = tpu.vector_load %arg9[%swap3A, %swap3A_209] {strides = array<i32>} : memref<200x128xf32, #tpu.memory_space<vmem>>, vector<1x16xf32>,
        %swap3A_211 = vector.shape_cast %swap3A_210 : vector<1x16xf32> to vector<16xf32>
        %swap3A_212 = vector.shape_cast %add3A_208 : vector<16xf32> to vector<1x16xf32>
        tpu.vector_store %arg9[%swap3A, %swap3A_209], %swap3A_212 {strides = array<i32>} : memref<200x128xf32, #tpu.memory_space<vmem>>, vector<1x16xf32>,
        %get3A_213 = arith.index_cast %scan3A_197 : i32 to index
        %get3A_214 = arith.constant 16 : index
        %get3A_215 = tpu.vector_load %arg9[%get3A_213, %get3A_214] {strides = array<i32>} : memref<200x128xf32, #tpu.memory_space<vmem>>, vector<1x16xf32>,
        %get3A_216 = vector.shape_cast %get3A_215 : vector<1x16xf32> to vector<16xf32>
        %mul3A_217 = arith.mulf %get3A_20, %get3A_216 : vector<16xf32>
        %get3A_218 = arith.index_cast %scan3A_197 : i32 to index
        %get3A_219 = arith.constant 16 : index
        %get3A_220 = tpu.vector_load %arg11[%get3A_218, %get3A_219] {strides = array<i32>} : memref<200x128xf32, #tpu.memory_space<vmem>>, vector<1x16xf32>,
        %get3A_221 = vector.shape_cast %get3A_220 : vector<1x16xf32> to vector<16xf32>
        %mul3A_222 = arith.mulf %get3A_23, %get3A_221 : vector<16xf32>
        %add3A_223 = arith.addf %mul3A_217, %mul3A_222 : vector<16xf32>
        %swap3A_224 = arith.index_cast %scan3A_197 : i32 to index
        %swap3A_225 = arith.constant 16 : index
        %swap3A_226 = tpu.vector_load %arg9[%swap3A_224, %swap3A_225] {strides = array<i32>} : memref<200x128xf32, #tpu.memory_space<vmem>>, vector<1x16xf32>,
        %swap3A_227 = vector.shape_cast %swap3A_226 : vector<1x16xf32> to vector<16xf32>
        %swap3A_228 = vector.shape_cast %add3A_223 : vector<16xf32> to vector<1x16xf32>
        tpu.vector_store %arg9[%swap3A_224, %swap3A_225], %swap3A_228 {strides = array<i32>} : memref<200x128xf32, #tpu.memory_space<vmem>>, vector<1x16xf32>,
        %get3A_229 = arith.index_cast %scan3A_197 : i32 to index
        %get3A_230 = arith.constant 32 : index
        %get3A_231 = tpu.vector_load %arg9[%get3A_229, %get3A_230] {strides = array<i32>} : memref<200x128xf32, #tpu.memory_space<vmem>>, vector<1x16xf32>,
        %get3A_232 = vector.shape_cast %get3A_231 : vector<1x16xf32> to vector<16xf32>
        %mul3A_233 = arith.mulf %get3A_20, %get3A_232 : vector<16xf32>
        %get3A_234 = arith.index_cast %scan3A_197 : i32 to index
        %get3A_235 = arith.constant 32 : index
        %get3A_236 = tpu.vector_load %arg11[%get3A_234, %get3A_235] {strides = array<i32>} : memref<200x128xf32, #tpu.memory_space<vmem>>, vector<1x16xf32>,
        %get3A_237 = vector.shape_cast %get3A_236 : vector<1x16xf32> to vector<16xf32>
        %mul3A_238 = arith.mulf %get3A_23, %get3A_237 : vector<16xf32>
        %add3A_239 = arith.addf %mul3A_233, %mul3A_238 : vector<16xf32>
        %swap3A_240 = arith.index_cast %scan3A_197 : i32 to index
        %swap3A_241 = arith.constant 32 : index
        %swap3A_242 = tpu.vector_load %arg9[%swap3A_240, %swap3A_241] {strides = array<i32>} : memref<200x128xf32, #tpu.memory_space<vmem>>, vector<1x16xf32>,
        %swap3A_243 = vector.shape_cast %swap3A_242 : vector<1x16xf32> to vector<16xf32>
        %swap3A_244 = vector.shape_cast %add3A_239 : vector<16xf32> to vector<1x16xf32>
        tpu.vector_store %arg9[%swap3A_240, %swap3A_241], %swap3A_244 {strides = array<i32>} : memref<200x128xf32, #tpu.memory_space<vmem>>, vector<1x16xf32>,
        %get3A_245 = arith.index_cast %scan3A_197 : i32 to index
        %get3A_246 = arith.constant 48 : index
        %get3A_247 = tpu.vector_load %arg9[%get3A_245, %get3A_246] {strides = array<i32>} : memref<200x128xf32, #tpu.memory_space<vmem>>, vector<1x16xf32>,
        %get3A_248 = vector.shape_cast %get3A_247 : vector<1x16xf32> to vector<16xf32>
        %mul3A_249 = arith.mulf %get3A_20, %get3A_248 : vector<16xf32>
        %get3A_250 = arith.index_cast %scan3A_197 : i32 to index
        %get3A_251 = arith.constant 48 : index
        %get3A_252 = tpu.vector_load %arg11[%get3A_250, %get3A_251] {strides = array<i32>} : memref<200x128xf32, #tpu.memory_space<vmem>>, vector<1x16xf32>,
        %get3A_253 = vector.shape_cast %get3A_252 : vector<1x16xf32> to vector<16xf32>
        %mul3A_254 = arith.mulf %get3A_23, %get3A_253 : vector<16xf32>
        %add3A_255 = arith.addf %mul3A_249, %mul3A_254 : vector<16xf32>
        %swap3A_256 = arith.index_cast %scan3A_197 : i32 to index
        %swap3A_257 = arith.constant 48 : index
        %swap3A_258 = tpu.vector_load %arg9[%swap3A_256, %swap3A_257] {strides = array<i32>} : memref<200x128xf32, #tpu.memory_space<vmem>>, vector<1x16xf32>,
        %swap3A_259 = vector.shape_cast %swap3A_258 : vector<1x16xf32> to vector<16xf32>
        %swap3A_260 = vector.shape_cast %add3A_255 : vector<16xf32> to vector<1x16xf32>
        tpu.vector_store %arg9[%swap3A_256, %swap3A_257], %swap3A_260 {strides = array<i32>} : memref<200x128xf32, #tpu.memory_space<vmem>>, vector<1x16xf32>,
        %get3A_261 = arith.index_cast %scan3A_197 : i32 to index
        %get3A_262 = arith.constant 64 : index
        %get3A_263 = tpu.vector_load %arg9[%get3A_261, %get3A_262] {strides = array<i32>} : memref<200x128xf32, #tpu.memory_space<vmem>>, vector<1x16xf32>,
        %get3A_264 = vector.shape_cast %get3A_263 : vector<1x16xf32> to vector<16xf32>
        %mul3A_265 = arith.mulf %get3A_20, %get3A_264 : vector<16xf32>
        %get3A_266 = arith.index_cast %scan3A_197 : i32 to index
        %get3A_267 = arith.constant 64 : index
        %get3A_268 = tpu.vector_load %arg11[%get3A_266, %get3A_267] {strides = array<i32>} : memref<200x128xf32, #tpu.memory_space<vmem>>, vector<1x16xf32>,
        %get3A_269 = vector.shape_cast %get3A_268 : vector<1x16xf32> to vector<16xf32>
        %mul3A_270 = arith.mulf %get3A_23, %get3A_269 : vector<16xf32>
        %add3A_271 = arith.addf %mul3A_265, %mul3A_270 : vector<16xf32>
        %swap3A_272 = arith.index_cast %scan3A_197 : i32 to index
        %swap3A_273 = arith.constant 64 : index
        %swap3A_274 = tpu.vector_load %arg9[%swap3A_272, %swap3A_273] {strides = array<i32>} : memref<200x128xf32, #tpu.memory_space<vmem>>, vector<1x16xf32>,
        %swap3A_275 = vector.shape_cast %swap3A_274 : vector<1x16xf32> to vector<16xf32>
        %swap3A_276 = vector.shape_cast %add3A_271 : vector<16xf32> to vector<1x16xf32>
        tpu.vector_store %arg9[%swap3A_272, %swap3A_273], %swap3A_276 {strides = array<i32>} : memref<200x128xf32, #tpu.memory_space<vmem>>, vector<1x16xf32>,
        %get3A_277 = arith.index_cast %scan3A_197 : i32 to index
        %get3A_278 = arith.constant 80 : index
        %get3A_279 = tpu.vector_load %arg9[%get3A_277, %get3A_278] {strides = array<i32>} : memref<200x128xf32, #tpu.memory_space<vmem>>, vector<1x16xf32>,
        %get3A_280 = vector.shape_cast %get3A_279 : vector<1x16xf32> to vector<16xf32>
        %mul3A_281 = arith.mulf %get3A_20, %get3A_280 : vector<16xf32>
        %get3A_282 = arith.index_cast %scan3A_197 : i32 to index
        %get3A_283 = arith.constant 80 : index
        %get3A_284 = tpu.vector_load %arg11[%get3A_282, %get3A_283] {strides = array<i32>} : memref<200x128xf32, #tpu.memory_space<vmem>>, vector<1x16xf32>,
        %get3A_285 = vector.shape_cast %get3A_284 : vector<1x16xf32> to vector<16xf32>
        %mul3A_286 = arith.mulf %get3A_23, %get3A_285 : vector<16xf32>
        %add3A_287 = arith.addf %mul3A_281, %mul3A_286 : vector<16xf32>
        %swap3A_288 = arith.index_cast %scan3A_197 : i32 to index
        %swap3A_289 = arith.constant 80 : index
        %swap3A_290 = tpu.vector_load %arg9[%swap3A_288, %swap3A_289] {strides = array<i32>} : memref<200x128xf32, #tpu.memory_space<vmem>>, vector<1x16xf32>,
        %swap3A_291 = vector.shape_cast %swap3A_290 : vector<1x16xf32> to vector<16xf32>
        %swap3A_292 = vector.shape_cast %add3A_287 : vector<16xf32> to vector<1x16xf32>
        tpu.vector_store %arg9[%swap3A_288, %swap3A_289], %swap3A_292 {strides = array<i32>} : memref<200x128xf32, #tpu.memory_space<vmem>>, vector<1x16xf32>,
        %get3A_293 = arith.index_cast %scan3A_197 : i32 to index
        %get3A_294 = arith.constant 96 : index
        %get3A_295 = tpu.vector_load %arg9[%get3A_293, %get3A_294] {strides = array<i32>} : memref<200x128xf32, #tpu.memory_space<vmem>>, vector<1x16xf32>,
        %get3A_296 = vector.shape_cast %get3A_295 : vector<1x16xf32> to vector<16xf32>
        %mul3A_297 = arith.mulf %get3A_20, %get3A_296 : vector<16xf32>
        %get3A_298 = arith.index_cast %scan3A_197 : i32 to index
        %get3A_299 = arith.constant 96 : index
        %get3A_300 = tpu.vector_load %arg11[%get3A_298, %get3A_299] {strides = array<i32>} : memref<200x128xf32, #tpu.memory_space<vmem>>, vector<1x16xf32>,
        %get3A_301 = vector.shape_cast %get3A_300 : vector<1x16xf32> to vector<16xf32>
        %mul3A_302 = arith.mulf %get3A_23, %get3A_301 : vector<16xf32>
        %add3A_303 = arith.addf %mul3A_297, %mul3A_302 : vector<16xf32>
        %swap3A_304 = arith.index_cast %scan3A_197 : i32 to index
        %swap3A_305 = arith.constant 96 : index
        %swap3A_306 = tpu.vector_load %arg9[%swap3A_304, %swap3A_305] {strides = array<i32>} : memref<200x128xf32, #tpu.memory_space<vmem>>, vector<1x16xf32>,
        %swap3A_307 = vector.shape_cast %swap3A_306 : vector<1x16xf32> to vector<16xf32>
        %swap3A_308 = vector.shape_cast %add3A_303 : vector<16xf32> to vector<1x16xf32>
        tpu.vector_store %arg9[%swap3A_304, %swap3A_305], %swap3A_308 {strides = array<i32>} : memref<200x128xf32, #tpu.memory_space<vmem>>, vector<1x16xf32>,
        %get3A_309 = arith.index_cast %scan3A_197 : i32 to index
        %get3A_310 = arith.constant 112 : index
        %get3A_311 = tpu.vector_load %arg9[%get3A_309, %get3A_310] {strides = array<i32>} : memref<200x128xf32, #tpu.memory_space<vmem>>, vector<1x16xf32>,
        %get3A_312 = vector.shape_cast %get3A_311 : vector<1x16xf32> to vector<16xf32>
        %mul3A_313 = arith.mulf %get3A_20, %get3A_312 : vector<16xf32>
        %get3A_314 = arith.index_cast %scan3A_197 : i32 to index
        %get3A_315 = arith.constant 112 : index
        %get3A_316 = tpu.vector_load %arg11[%get3A_314, %get3A_315] {strides = array<i32>} : memref<200x128xf32, #tpu.memory_space<vmem>>, vector<1x16xf32>,
        %get3A_317 = vector.shape_cast %get3A_316 : vector<1x16xf32> to vector<16xf32>
        %mul3A_318 = arith.mulf %get3A_23, %get3A_317 : vector<16xf32>
        %add3A_319 = arith.addf %mul3A_313, %mul3A_318 : vector<16xf32>
        %swap3A_320 = arith.index_cast %scan3A_197 : i32 to index
        %swap3A_321 = arith.constant 112 : index
        %swap3A_322 = tpu.vector_load %arg9[%swap3A_320, %swap3A_321] {strides = array<i32>} : memref<200x128xf32, #tpu.memory_space<vmem>>, vector<1x16xf32>,
        %swap3A_323 = vector.shape_cast %swap3A_322 : vector<1x16xf32> to vector<16xf32>
        %swap3A_324 = vector.shape_cast %add3A_319 : vector<16xf32> to vector<1x16xf32>
        tpu.vector_store %arg9[%swap3A_320, %swap3A_321], %swap3A_324 {strides = array<i32>} : memref<200x128xf32, #tpu.memory_space<vmem>>, vector<1x16xf32>,
      }
      %scan3A_189 = arith.constant 200 : i32
      %mul3A_190 = arith.constant 200 : i32
      %mul3A_191 = arith.muli %add3A_98, %mul3A_190 : i32
      %add3A_192 = arith.addi %add3A, %mul3A_191 : i32
      %dma_start3A_193 = arith.constant 0 : i32
      %dma_start3A_194 = tpu.memref_slice %arg6[%add3A_192, %dma_start3A_193] : memref<100000x128xf32, #tpu.memory_space<hbm>> -> memref<200x128xf32, #tpu.memory_space<hbm>>
      %dma_start3A_195 = arith.constant 0 : i32
      %dma_start3A_196 = tpu.memref_slice %arg6[%add3A_192, %dma_start3A_195] : memref<100000x128xf32, #tpu.memory_space<hbm>> -> memref<200x128xf32, #tpu.memory_space<hbm>>
      tpu.enqueue_dma source(%arg9 : memref<200x128xf32, #tpu.memory_space<vmem>>) target(%dma_start3A_196 : memref<200x128xf32, #tpu.memory_space<hbm>>) target_semaphore(%arg16 : memref<!tpu.dma_semaphore, #tpu.memory_space<semaphore_mem>>)
    }
    %while3A_82 = arith.constant 1 : i32
    scf.for %while3A_94 = %while3A_80 to %while3A_76 step %while3A_82  : i32 {
      %mul3A_95 = arith.constant 2 : i32
      %mul3A_96 = arith.muli %mul3A_95, %while3A_94 : i32
      %add3A_97 = arith.constant 1 : i32
      %add3A_98 = arith.addi %mul3A_96, %add3A_97 : i32
      %mul3A_99 = arith.constant 2 : i32
      %mul3A_100 = arith.muli %mul3A_99, %while3A_94 : i32
      %add3A_101 = arith.constant 2 : i32
      %add3A_102 = arith.addi %mul3A_100, %add3A_101 : i32
      %dma_wait3A_103 = arith.constant 0 : i32
      %dma_wait3A_104 = arith.constant 0 : i32
      %dma_wait3A_105 = tpu.memref_slice %arg2[%dma_wait3A_103, %dma_wait3A_104] : memref<100000x128xf32, #tpu.memory_space<hbm>> -> memref<200x128xf32, #tpu.memory_space<hbm>>
      %dma_wait3A_106 = arith.constant 0 : i32
      %dma_wait3A_107 = arith.constant 0 : i32
      %dma_wait3A_108 = tpu.memref_slice %arg2[%dma_wait3A_106, %dma_wait3A_107] : memref<100000x128xf32, #tpu.memory_space<hbm>> -> memref<200x128xf32, #tpu.memory_space<hbm>>
      tpu.wait_dma2 semaphore(%arg13 : memref<!tpu.dma_semaphore, #tpu.memory_space<semaphore_mem>>) src(%dma_wait3A_108 : memref<200x128xf32, #tpu.memory_space<hbm>>) dst(%arg8 : memref<200x128xf32, #tpu.memory_space<vmem>>)
      %dma_wait3A_109 = arith.constant 0 : i32
      %dma_wait3A_110 = arith.constant 0 : i32
      %dma_wait3A_111 = tpu.memref_slice %arg2[%dma_wait3A_109, %dma_wait3A_110] : memref<100000x128xf32, #tpu.memory_space<hbm>> -> memref<200x128xf32, #tpu.memory_space<hbm>>
      %dma_wait3A_112 = arith.constant 0 : i32
      %dma_wait3A_113 = arith.constant 0 : i32
      %dma_wait3A_114 = tpu.memref_slice %arg2[%dma_wait3A_112, %dma_wait3A_113] : memref<100000x128xf32, #tpu.memory_space<hbm>> -> memref<200x128xf32, #tpu.memory_space<hbm>>
      tpu.wait_dma2 semaphore(%arg13 : memref<!tpu.dma_semaphore, #tpu.memory_space<semaphore_mem>>) src(%dma_wait3A_114 : memref<200x128xf32, #tpu.memory_space<hbm>>) dst(%arg10 : memref<200x128xf32, #tpu.memory_space<vmem>>)
      %gt3A = arith.constant 0 : i32
      %gt3A_115 = arith.cmpi sgt, %while3A_94, %gt3A : i32
      %convert_element_type3A_116 = arith.extui %gt3A_115 : i1 to i32
      %cond3A_117 = arith.constant 0 : i32
      %cond3A_118 = arith.cmpi ne, %convert_element_type3A_116, %cond3A_117 : i32
      scf.if %cond3A_118 {
        %dma_wait3A_197 = arith.constant 0 : i32
        %dma_wait3A_198 = arith.constant 0 : i32
        %dma_wait3A_199 = tpu.memref_slice %arg6[%dma_wait3A_197, %dma_wait3A_198] : memref<100000x128xf32, #tpu.memory_space<hbm>> -> memref<200x128xf32, #tpu.memory_space<hbm>>
        %dma_wait3A_200 = arith.constant 0 : i32
        %dma_wait3A_201 = arith.constant 0 : i32
        %dma_wait3A_202 = tpu.memref_slice %arg6[%dma_wait3A_200, %dma_wait3A_201] : memref<100000x128xf32, #tpu.memory_space<hbm>> -> memref<200x128xf32, #tpu.memory_space<hbm>>
        tpu.wait_dma2 semaphore(%arg16 : memref<!tpu.dma_semaphore, #tpu.memory_space<semaphore_mem>>) src(%arg9 : memref<200x128xf32, #tpu.memory_space<vmem>>) dst(%dma_wait3A_202 : memref<200x128xf32, #tpu.memory_space<hbm>>)
      } else {
      }
      %mul3A_119 = arith.constant 200 : i32
      %mul3A_120 = arith.muli %add3A_98, %mul3A_119 : i32
      %add3A_121 = arith.addi %add3A, %mul3A_120 : i32
      %dma_start3A_122 = arith.constant 0 : i32
      %dma_start3A_123 = tpu.memref_slice %arg2[%add3A_121, %dma_start3A_122] : memref<100000x128xf32, #tpu.memory_space<hbm>> -> memref<200x128xf32, #tpu.memory_space<hbm>>
      %dma_start3A_124 = arith.constant 0 : i32
      %dma_start3A_125 = tpu.memref_slice %arg2[%add3A_121, %dma_start3A_124] : memref<100000x128xf32, #tpu.memory_space<hbm>> -> memref<200x128xf32, #tpu.memory_space<hbm>>
      tpu.enqueue_dma source(%dma_start3A_125 : memref<200x128xf32, #tpu.memory_space<hbm>>) target(%arg9 : memref<200x128xf32, #tpu.memory_space<vmem>>) target_semaphore(%arg14 : memref<!tpu.dma_semaphore, #tpu.memory_space<semaphore_mem>>)
      %mul3A_126 = arith.constant 2 : i32
      %mul3A_127 = arith.muli %add3A_98, %mul3A_126 : i32
      %add3A_128 = arith.addi %mul3A_9, %mul3A_127 : i32
      %add3A_129 = arith.constant 0 : i32
      %add3A_130 = arith.addi %add3A_128, %add3A_129 : i32
      %dma_start3A_131 = arith.constant 0 : i32
      %dma_start3A_132 = arith.constant 0 : i32
      %dma_start3A_133 = tpu.memref_slice %arg11[%dma_start3A_131, %dma_start3A_132] : memref<200x128xf32, #tpu.memory_space<vmem>> -> memref<100x128xf32, #tpu.memory_space<vmem>>
      %dma_start3A_134 = arith.constant 0 : i32
      %dma_start3A_135 = tpu.memref_slice %arg7[%add3A_130, %dma_start3A_134] : memref<40x100xi32, #tpu.memory_space<vmem>> -> memref<1x100xi32, #tpu.memory_space<vmem>>
      %dma_start3A_136 = tpu.memref_squeeze %dma_start3A_135 : memref<1x100xi32, #tpu.memory_space<vmem>> -> memref<100xi32, #tpu.memory_space<vmem>>
      %dma_start3A_137 = arith.constant 0 : i32
      %dma_start3A_138 = arith.constant 0 : i32
      %dma_start3A_139 = tpu.memref_slice %arg4[%dma_start3A_137, %dma_start3A_138] : memref<2048x128xf32, #tpu.memory_space<hbm>> -> memref<2048x128xf32, #tpu.memory_space<hbm>>
      tpu.enqueue_indirect_dma source(%dma_start3A_139 : memref<2048x128xf32, #tpu.memory_space<hbm>>) target(%dma_start3A_133 : memref<100x128xf32, #tpu.memory_space<vmem>>) offsets(%dma_start3A_136 : memref<100xi32, #tpu.memory_space<vmem>>) semaphore(%arg14 : memref<!tpu.dma_semaphore, #tpu.memory_space<semaphore_mem>>)
      %mul3A_140 = arith.constant 2 : i32
      %mul3A_141 = arith.muli %add3A_98, %mul3A_140 : i32
      %add3A_142 = arith.addi %mul3A_9, %mul3A_141 : i32
      %add3A_143 = arith.constant 1 : i32
      %add3A_144 = arith.addi %add3A_142, %add3A_143 : i32
      %dma_start3A_145 = arith.constant 100 : i32
      %dma_start3A_146 = arith.constant 0 : i32
      %dma_start3A_147 = tpu.memref_slice %arg11[%dma_start3A_145, %dma_start3A_146] : memref<200x128xf32, #tpu.memory_space<vmem>> -> memref<100x128xf32, #tpu.memory_space<vmem>>
      %dma_start3A_148 = arith.constant 0 : i32
      %dma_start3A_149 = tpu.memref_slice %arg7[%add3A_144, %dma_start3A_148] : memref<40x100xi32, #tpu.memory_space<vmem>> -> memref<1x100xi32, #tpu.memory_space<vmem>>
      %dma_start3A_150 = tpu.memref_squeeze %dma_start3A_149 : memref<1x100xi32, #tpu.memory_space<vmem>> -> memref<100xi32, #tpu.memory_space<vmem>>
      %dma_start3A_151 = arith.constant 0 : i32
      %dma_start3A_152 = arith.constant 0 : i32
      %dma_start3A_153 = tpu.memref_slice %arg4[%dma_start3A_151, %dma_start3A_152] : memref<2048x128xf32, #tpu.memory_space<hbm>> -> memref<2048x128xf32, #tpu.memory_space<hbm>>
      tpu.enqueue_indirect_dma source(%dma_start3A_153 : memref<2048x128xf32, #tpu.memory_space<hbm>>) target(%dma_start3A_147 : memref<100x128xf32, #tpu.memory_space<vmem>>) offsets(%dma_start3A_150 : memref<100xi32, #tpu.memory_space<vmem>>) semaphore(%arg14 : memref<!tpu.dma_semaphore, #tpu.memory_space<semaphore_mem>>)
      %mul3A_154 = arith.constant 2 : i32
      %mul3A_155 = arith.muli %mul3A_154, %while3A_94 : i32
      %scan3A = arith.constant 0 : i32
      %scan3A_156 = arith.constant 0 : i32
      %scan3A_157 = arith.constant 200 : i32
      %scan3A_158 = arith.addi %scan3A_156, %scan3A_157 : i32
      %scan3A_159 = arith.constant 1 : i32
      scf.for %scan3A_197 = %scan3A_156 to %scan3A_158 step %scan3A_159  : i32 {
        %get3A_198 = arith.index_cast %scan3A_197 : i32 to index
        %get3A_199 = arith.constant 0 : index
        %get3A_200 = tpu.vector_load %arg8[%get3A_198, %get3A_199] {strides = array<i32>} : memref<200x128xf32, #tpu.memory_space<vmem>>, vector<1x16xf32>,
        %get3A_201 = vector.shape_cast %get3A_200 : vector<1x16xf32> to vector<16xf32>
        %mul3A_202 = arith.mulf %get3A_20, %get3A_201 : vector<16xf32>
        %get3A_203 = arith.index_cast %scan3A_197 : i32 to index
        %get3A_204 = arith.constant 0 : index
        %get3A_205 = tpu.vector_load %arg10[%get3A_203, %get3A_204] {strides = array<i32>} : memref<200x128xf32, #tpu.memory_space<vmem>>, vector<1x16xf32>,
        %get3A_206 = vector.shape_cast %get3A_205 : vector<1x16xf32> to vector<16xf32>
        %mul3A_207 = arith.mulf %get3A_23, %get3A_206 : vector<16xf32>
        %add3A_208 = arith.addf %mul3A_202, %mul3A_207 : vector<16xf32>
        %swap3A = arith.index_cast %scan3A_197 : i32 to index
        %swap3A_209 = arith.constant 0 : index
        %swap3A_210 = tpu.vector_load %arg8[%swap3A, %swap3A_209] {strides = array<i32>} : memref<200x128xf32, #tpu.memory_space<vmem>>, vector<1x16xf32>,
        %swap3A_211 = vector.shape_cast %swap3A_210 : vector<1x16xf32> to vector<16xf32>
        %swap3A_212 = vector.shape_cast %add3A_208 : vector<16xf32> to vector<1x16xf32>
        tpu.vector_store %arg8[%swap3A, %swap3A_209], %swap3A_212 {strides = array<i32>} : memref<200x128xf32, #tpu.memory_space<vmem>>, vector<1x16xf32>,
        %get3A_213 = arith.index_cast %scan3A_197 : i32 to index
        %get3A_214 = arith.constant 16 : index
        %get3A_215 = tpu.vector_load %arg8[%get3A_213, %get3A_214] {strides = array<i32>} : memref<200x128xf32, #tpu.memory_space<vmem>>, vector<1x16xf32>,
        %get3A_216 = vector.shape_cast %get3A_215 : vector<1x16xf32> to vector<16xf32>
        %mul3A_217 = arith.mulf %get3A_20, %get3A_216 : vector<16xf32>
        %get3A_218 = arith.index_cast %scan3A_197 : i32 to index
        %get3A_219 = arith.constant 16 : index
        %get3A_220 = tpu.vector_load %arg10[%get3A_218, %get3A_219] {strides = array<i32>} : memref<200x128xf32, #tpu.memory_space<vmem>>, vector<1x16xf32>,
        %get3A_221 = vector.shape_cast %get3A_220 : vector<1x16xf32> to vector<16xf32>
        %mul3A_222 = arith.mulf %get3A_23, %get3A_221 : vector<16xf32>
        %add3A_223 = arith.addf %mul3A_217, %mul3A_222 : vector<16xf32>
        %swap3A_224 = arith.index_cast %scan3A_197 : i32 to index
        %swap3A_225 = arith.constant 16 : index
        %swap3A_226 = tpu.vector_load %arg8[%swap3A_224, %swap3A_225] {strides = array<i32>} : memref<200x128xf32, #tpu.memory_space<vmem>>, vector<1x16xf32>,
        %swap3A_227 = vector.shape_cast %swap3A_226 : vector<1x16xf32> to vector<16xf32>
        %swap3A_228 = vector.shape_cast %add3A_223 : vector<16xf32> to vector<1x16xf32>
        tpu.vector_store %arg8[%swap3A_224, %swap3A_225], %swap3A_228 {strides = array<i32>} : memref<200x128xf32, #tpu.memory_space<vmem>>, vector<1x16xf32>,
        %get3A_229 = arith.index_cast %scan3A_197 : i32 to index
        %get3A_230 = arith.constant 32 : index
        %get3A_231 = tpu.vector_load %arg8[%get3A_229, %get3A_230] {strides = array<i32>} : memref<200x128xf32, #tpu.memory_space<vmem>>, vector<1x16xf32>,
        %get3A_232 = vector.shape_cast %get3A_231 : vector<1x16xf32> to vector<16xf32>
        %mul3A_233 = arith.mulf %get3A_20, %get3A_232 : vector<16xf32>
        %get3A_234 = arith.index_cast %scan3A_197 : i32 to index
        %get3A_235 = arith.constant 32 : index
        %get3A_236 = tpu.vector_load %arg10[%get3A_234, %get3A_235] {strides = array<i32>} : memref<200x128xf32, #tpu.memory_space<vmem>>, vector<1x16xf32>,
        %get3A_237 = vector.shape_cast %get3A_236 : vector<1x16xf32> to vector<16xf32>
        %mul3A_238 = arith.mulf %get3A_23, %get3A_237 : vector<16xf32>
        %add3A_239 = arith.addf %mul3A_233, %mul3A_238 : vector<16xf32>
        %swap3A_240 = arith.index_cast %scan3A_197 : i32 to index
        %swap3A_241 = arith.constant 32 : index
        %swap3A_242 = tpu.vector_load %arg8[%swap3A_240, %swap3A_241] {strides = array<i32>} : memref<200x128xf32, #tpu.memory_space<vmem>>, vector<1x16xf32>,
        %swap3A_243 = vector.shape_cast %swap3A_242 : vector<1x16xf32> to vector<16xf32>
        %swap3A_244 = vector.shape_cast %add3A_239 : vector<16xf32> to vector<1x16xf32>
        tpu.vector_store %arg8[%swap3A_240, %swap3A_241], %swap3A_244 {strides = array<i32>} : memref<200x128xf32, #tpu.memory_space<vmem>>, vector<1x16xf32>,
        %get3A_245 = arith.index_cast %scan3A_197 : i32 to index
        %get3A_246 = arith.constant 48 : index
        %get3A_247 = tpu.vector_load %arg8[%get3A_245, %get3A_246] {strides = array<i32>} : memref<200x128xf32, #tpu.memory_space<vmem>>, vector<1x16xf32>,
        %get3A_248 = vector.shape_cast %get3A_247 : vector<1x16xf32> to vector<16xf32>
        %mul3A_249 = arith.mulf %get3A_20, %get3A_248 : vector<16xf32>
        %get3A_250 = arith.index_cast %scan3A_197 : i32 to index
        %get3A_251 = arith.constant 48 : index
        %get3A_252 = tpu.vector_load %arg10[%get3A_250, %get3A_251] {strides = array<i32>} : memref<200x128xf32, #tpu.memory_space<vmem>>, vector<1x16xf32>,
        %get3A_253 = vector.shape_cast %get3A_252 : vector<1x16xf32> to vector<16xf32>
        %mul3A_254 = arith.mulf %get3A_23, %get3A_253 : vector<16xf32>
        %add3A_255 = arith.addf %mul3A_249, %mul3A_254 : vector<16xf32>
        %swap3A_256 = arith.index_cast %scan3A_197 : i32 to index
        %swap3A_257 = arith.constant 48 : index
        %swap3A_258 = tpu.vector_load %arg8[%swap3A_256, %swap3A_257] {strides = array<i32>} : memref<200x128xf32, #tpu.memory_space<vmem>>, vector<1x16xf32>,
        %swap3A_259 = vector.shape_cast %swap3A_258 : vector<1x16xf32> to vector<16xf32>
        %swap3A_260 = vector.shape_cast %add3A_255 : vector<16xf32> to vector<1x16xf32>
        tpu.vector_store %arg8[%swap3A_256, %swap3A_257], %swap3A_260 {strides = array<i32>} : memref<200x128xf32, #tpu.memory_space<vmem>>, vector<1x16xf32>,
        %get3A_261 = arith.index_cast %scan3A_197 : i32 to index
        %get3A_262 = arith.constant 64 : index
        %get3A_263 = tpu.vector_load %arg8[%get3A_261, %get3A_262] {strides = array<i32>} : memref<200x128xf32, #tpu.memory_space<vmem>>, vector<1x16xf32>,
        %get3A_264 = vector.shape_cast %get3A_263 : vector<1x16xf32> to vector<16xf32>
        %mul3A_265 = arith.mulf %get3A_20, %get3A_264 : vector<16xf32>
        %get3A_266 = arith.index_cast %scan3A_197 : i32 to index
        %get3A_267 = arith.constant 64 : index
        %get3A_268 = tpu.vector_load %arg10[%get3A_266, %get3A_267] {strides = array<i32>} : memref<200x128xf32, #tpu.memory_space<vmem>>, vector<1x16xf32>,
        %get3A_269 = vector.shape_cast %get3A_268 : vector<1x16xf32> to vector<16xf32>
        %mul3A_270 = arith.mulf %get3A_23, %get3A_269 : vector<16xf32>
        %add3A_271 = arith.addf %mul3A_265, %mul3A_270 : vector<16xf32>
        %swap3A_272 = arith.index_cast %scan3A_197 : i32 to index
        %swap3A_273 = arith.constant 64 : index
        %swap3A_274 = tpu.vector_load %arg8[%swap3A_272, %swap3A_273] {strides = array<i32>} : memref<200x128xf32, #tpu.memory_space<vmem>>, vector<1x16xf32>,
        %swap3A_275 = vector.shape_cast %swap3A_274 : vector<1x16xf32> to vector<16xf32>
        %swap3A_276 = vector.shape_cast %add3A_271 : vector<16xf32> to vector<1x16xf32>
        tpu.vector_store %arg8[%swap3A_272, %swap3A_273], %swap3A_276 {strides = array<i32>} : memref<200x128xf32, #tpu.memory_space<vmem>>, vector<1x16xf32>,
        %get3A_277 = arith.index_cast %scan3A_197 : i32 to index
        %get3A_278 = arith.constant 80 : index
        %get3A_279 = tpu.vector_load %arg8[%get3A_277, %get3A_278] {strides = array<i32>} : memref<200x128xf32, #tpu.memory_space<vmem>>, vector<1x16xf32>,
        %get3A_280 = vector.shape_cast %get3A_279 : vector<1x16xf32> to vector<16xf32>
        %mul3A_281 = arith.mulf %get3A_20, %get3A_280 : vector<16xf32>
        %get3A_282 = arith.index_cast %scan3A_197 : i32 to index
        %get3A_283 = arith.constant 80 : index
        %get3A_284 = tpu.vector_load %arg10[%get3A_282, %get3A_283] {strides = array<i32>} : memref<200x128xf32, #tpu.memory_space<vmem>>, vector<1x16xf32>,
        %get3A_285 = vector.shape_cast %get3A_284 : vector<1x16xf32> to vector<16xf32>
        %mul3A_286 = arith.mulf %get3A_23, %get3A_285 : vector<16xf32>
        %add3A_287 = arith.addf %mul3A_281, %mul3A_286 : vector<16xf32>
        %swap3A_288 = arith.index_cast %scan3A_197 : i32 to index
        %swap3A_289 = arith.constant 80 : index
        %swap3A_290 = tpu.vector_load %arg8[%swap3A_288, %swap3A_289] {strides = array<i32>} : memref<200x128xf32, #tpu.memory_space<vmem>>, vector<1x16xf32>,
        %swap3A_291 = vector.shape_cast %swap3A_290 : vector<1x16xf32> to vector<16xf32>
        %swap3A_292 = vector.shape_cast %add3A_287 : vector<16xf32> to vector<1x16xf32>
        tpu.vector_store %arg8[%swap3A_288, %swap3A_289], %swap3A_292 {strides = array<i32>} : memref<200x128xf32, #tpu.memory_space<vmem>>, vector<1x16xf32>,
        %get3A_293 = arith.index_cast %scan3A_197 : i32 to index
        %get3A_294 = arith.constant 96 : index
        %get3A_295 = tpu.vector_load %arg8[%get3A_293, %get3A_294] {strides = array<i32>} : memref<200x128xf32, #tpu.memory_space<vmem>>, vector<1x16xf32>,
        %get3A_296 = vector.shape_cast %get3A_295 : vector<1x16xf32> to vector<16xf32>
        %mul3A_297 = arith.mulf %get3A_20, %get3A_296 : vector<16xf32>
        %get3A_298 = arith.index_cast %scan3A_197 : i32 to index
        %get3A_299 = arith.constant 96 : index
        %get3A_300 = tpu.vector_load %arg10[%get3A_298, %get3A_299] {strides = array<i32>} : memref<200x128xf32, #tpu.memory_space<vmem>>, vector<1x16xf32>,
        %get3A_301 = vector.shape_cast %get3A_300 : vector<1x16xf32> to vector<16xf32>
        %mul3A_302 = arith.mulf %get3A_23, %get3A_301 : vector<16xf32>
        %add3A_303 = arith.addf %mul3A_297, %mul3A_302 : vector<16xf32>
        %swap3A_304 = arith.index_cast %scan3A_197 : i32 to index
        %swap3A_305 = arith.constant 96 : index
        %swap3A_306 = tpu.vector_load %arg8[%swap3A_304, %swap3A_305] {strides = array<i32>} : memref<200x128xf32, #tpu.memory_space<vmem>>, vector<1x16xf32>,
        %swap3A_307 = vector.shape_cast %swap3A_306 : vector<1x16xf32> to vector<16xf32>
        %swap3A_308 = vector.shape_cast %add3A_303 : vector<16xf32> to vector<1x16xf32>
        tpu.vector_store %arg8[%swap3A_304, %swap3A_305], %swap3A_308 {strides = array<i32>} : memref<200x128xf32, #tpu.memory_space<vmem>>, vector<1x16xf32>,
        %get3A_309 = arith.index_cast %scan3A_197 : i32 to index
        %get3A_310 = arith.constant 112 : index
        %get3A_311 = tpu.vector_load %arg8[%get3A_309, %get3A_310] {strides = array<i32>} : memref<200x128xf32, #tpu.memory_space<vmem>>, vector<1x16xf32>,
        %get3A_312 = vector.shape_cast %get3A_311 : vector<1x16xf32> to vector<16xf32>
        %mul3A_313 = arith.mulf %get3A_20, %get3A_312 : vector<16xf32>
        %get3A_314 = arith.index_cast %scan3A_197 : i32 to index
        %get3A_315 = arith.constant 112 : index
        %get3A_316 = tpu.vector_load %arg10[%get3A_314, %get3A_315] {strides = array<i32>} : memref<200x128xf32, #tpu.memory_space<vmem>>, vector<1x16xf32>,
        %get3A_317 = vector.shape_cast %get3A_316 : vector<1x16xf32> to vector<16xf32>
        %mul3A_318 = arith.mulf %get3A_23, %get3A_317 : vector<16xf32>
        %add3A_319 = arith.addf %mul3A_313, %mul3A_318 : vector<16xf32>
        %swap3A_320 = arith.index_cast %scan3A_197 : i32 to index
        %swap3A_321 = arith.constant 112 : index
        %swap3A_322 = tpu.vector_load %arg8[%swap3A_320, %swap3A_321] {strides = array<i32>} : memref<200x128xf32, #tpu.memory_space<vmem>>, vector<1x16xf32>,
        %swap3A_323 = vector.shape_cast %swap3A_322 : vector<1x16xf32> to vector<16xf32>
        %swap3A_324 = vector.shape_cast %add3A_319 : vector<16xf32> to vector<1x16xf32>
        tpu.vector_store %arg8[%swap3A_320, %swap3A_321], %swap3A_324 {strides = array<i32>} : memref<200x128xf32, #tpu.memory_space<vmem>>, vector<1x16xf32>,
      }
      %scan3A_160 = arith.constant 200 : i32
      %mul3A_161 = arith.constant 200 : i32
      %mul3A_162 = arith.muli %mul3A_155, %mul3A_161 : i32
      %add3A_163 = arith.addi %add3A, %mul3A_162 : i32
      %dma_start3A_164 = arith.constant 0 : i32
      %dma_start3A_165 = tpu.memref_slice %arg6[%add3A_163, %dma_start3A_164] : memref<100000x128xf32, #tpu.memory_space<hbm>> -> memref<200x128xf32, #tpu.memory_space<hbm>>
      %dma_start3A_166 = arith.constant 0 : i32
      %dma_start3A_167 = tpu.memref_slice %arg6[%add3A_163, %dma_start3A_166] : memref<100000x128xf32, #tpu.memory_space<hbm>> -> memref<200x128xf32, #tpu.memory_space<hbm>>
      tpu.enqueue_dma source(%arg8 : memref<200x128xf32, #tpu.memory_space<vmem>>) target(%dma_start3A_167 : memref<200x128xf32, #tpu.memory_space<hbm>>) target_semaphore(%arg15 : memref<!tpu.dma_semaphore, #tpu.memory_space<semaphore_mem>>)
      %dma_wait3A_168 = arith.constant 0 : i32
      %dma_wait3A_169 = arith.constant 0 : i32
      %dma_wait3A_170 = tpu.memref_slice %arg2[%dma_wait3A_168, %dma_wait3A_169] : memref<100000x128xf32, #tpu.memory_space<hbm>> -> memref<200x128xf32, #tpu.memory_space<hbm>>
      %dma_wait3A_171 = arith.constant 0 : i32
      %dma_wait3A_172 = arith.constant 0 : i32
      %dma_wait3A_173 = tpu.memref_slice %arg2[%dma_wait3A_171, %dma_wait3A_172] : memref<100000x128xf32, #tpu.memory_space<hbm>> -> memref<200x128xf32, #tpu.memory_space<hbm>>
      tpu.wait_dma2 semaphore(%arg14 : memref<!tpu.dma_semaphore, #tpu.memory_space<semaphore_mem>>) src(%dma_wait3A_173 : memref<200x128xf32, #tpu.memory_space<hbm>>) dst(%arg9 : memref<200x128xf32, #tpu.memory_space<vmem>>)
      %dma_wait3A_174 = arith.constant 0 : i32
      %dma_wait3A_175 = arith.constant 0 : i32
      %dma_wait3A_176 = tpu.memref_slice %arg2[%dma_wait3A_174, %dma_wait3A_175] : memref<100000x128xf32, #tpu.memory_space<hbm>> -> memref<200x128xf32, #tpu.memory_space<hbm>>
      %dma_wait3A_177 = arith.constant 0 : i32
      %dma_wait3A_178 = arith.constant 0 : i32
      %dma_wait3A_179 = tpu.memref_slice %arg2[%dma_wait3A_177, %dma_wait3A_178] : memref<100000x128xf32, #tpu.memory_space<hbm>> -> memref<200x128xf32, #tpu.memory_space<hbm>>
      tpu.wait_dma2 semaphore(%arg14 : memref<!tpu.dma_semaphore, #tpu.memory_space<semaphore_mem>>) src(%dma_wait3A_179 : memref<200x128xf32, #tpu.memory_space<hbm>>) dst(%arg11 : memref<200x128xf32, #tpu.memory_space<vmem>>)
      %lt3A_180 = arith.cmpi slt, %add3A_102, %select_n3A : i32
      %convert_element_type3A_181 = arith.extui %lt3A_180 : i1 to i32
      %cond3A_182 = arith.constant 0 : i32
      %cond3A_183 = arith.cmpi ne, %convert_element_type3A_181, %cond3A_182 : i32
      scf.if %cond3A_183 {
        %dma_wait3A_197 = arith.constant 0 : i32
        %dma_wait3A_198 = arith.constant 0 : i32
        %dma_wait3A_199 = tpu.memref_slice %arg6[%dma_wait3A_197, %dma_wait3A_198] : memref<100000x128xf32, #tpu.memory_space<hbm>> -> memref<200x128xf32, #tpu.memory_space<hbm>>
        %dma_wait3A_200 = arith.constant 0 : i32
        %dma_wait3A_201 = arith.constant 0 : i32
        %dma_wait3A_202 = tpu.memref_slice %arg6[%dma_wait3A_200, %dma_wait3A_201] : memref<100000x128xf32, #tpu.memory_space<hbm>> -> memref<200x128xf32, #tpu.memory_space<hbm>>
        tpu.wait_dma2 semaphore(%arg15 : memref<!tpu.dma_semaphore, #tpu.memory_space<semaphore_mem>>) src(%arg8 : memref<200x128xf32, #tpu.memory_space<vmem>>) dst(%dma_wait3A_202 : memref<200x128xf32, #tpu.memory_space<hbm>>)
        %mul3A_203 = arith.constant 200 : i32
        %mul3A_204 = arith.muli %add3A_102, %mul3A_203 : i32
        %add3A_205 = arith.addi %add3A, %mul3A_204 : i32
        %dma_start3A_206 = arith.constant 0 : i32
        %dma_start3A_207 = tpu.memref_slice %arg2[%add3A_205, %dma_start3A_206] : memref<100000x128xf32, #tpu.memory_space<hbm>> -> memref<200x128xf32, #tpu.memory_space<hbm>>
        %dma_start3A_208 = arith.constant 0 : i32
        %dma_start3A_209 = tpu.memref_slice %arg2[%add3A_205, %dma_start3A_208] : memref<100000x128xf32, #tpu.memory_space<hbm>> -> memref<200x128xf32, #tpu.memory_space<hbm>>
        tpu.enqueue_dma source(%dma_start3A_209 : memref<200x128xf32, #tpu.memory_space<hbm>>) target(%arg8 : memref<200x128xf32, #tpu.memory_space<vmem>>) target_semaphore(%arg13 : memref<!tpu.dma_semaphore, #tpu.memory_space<semaphore_mem>>)
        %mul3A_210 = arith.constant 2 : i32
        %mul3A_211 = arith.muli %add3A_102, %mul3A_210 : i32
        %add3A_212 = arith.addi %mul3A_9, %mul3A_211 : i32
        %add3A_213 = arith.constant 0 : i32
        %add3A_214 = arith.addi %add3A_212, %add3A_213 : i32
        %dma_start3A_215 = arith.constant 0 : i32
        %dma_start3A_216 = arith.constant 0 : i32
        %dma_start3A_217 = tpu.memref_slice %arg10[%dma_start3A_215, %dma_start3A_216] : memref<200x128xf32, #tpu.memory_space<vmem>> -> memref<100x128xf32, #tpu.memory_space<vmem>>
        %dma_start3A_218 = arith.constant 0 : i32
        %dma_start3A_219 = tpu.memref_slice %arg7[%add3A_214, %dma_start3A_218] : memref<40x100xi32, #tpu.memory_space<vmem>> -> memref<1x100xi32, #tpu.memory_space<vmem>>
        %dma_start3A_220 = tpu.memref_squeeze %dma_start3A_219 : memref<1x100xi32, #tpu.memory_space<vmem>> -> memref<100xi32, #tpu.memory_space<vmem>>
        %dma_start3A_221 = arith.constant 0 : i32
        %dma_start3A_222 = arith.constant 0 : i32
        %dma_start3A_223 = tpu.memref_slice %arg4[%dma_start3A_221, %dma_start3A_222] : memref<2048x128xf32, #tpu.memory_space<hbm>> -> memref<2048x128xf32, #tpu.memory_space<hbm>>
        tpu.enqueue_indirect_dma source(%dma_start3A_223 : memref<2048x128xf32, #tpu.memory_space<hbm>>) target(%dma_start3A_217 : memref<100x128xf32, #tpu.memory_space<vmem>>) offsets(%dma_start3A_220 : memref<100xi32, #tpu.memory_space<vmem>>) semaphore(%arg13 : memref<!tpu.dma_semaphore, #tpu.memory_space<semaphore_mem>>)
        %mul3A_224 = arith.constant 2 : i32
        %mul3A_225 = arith.muli %add3A_102, %mul3A_224 : i32
        %add3A_226 = arith.addi %mul3A_9, %mul3A_225 : i32
        %add3A_227 = arith.constant 1 : i32
        %add3A_228 = arith.addi %add3A_226, %add3A_227 : i32
        %dma_start3A_229 = arith.constant 100 : i32
        %dma_start3A_230 = arith.constant 0 : i32
        %dma_start3A_231 = tpu.memref_slice %arg10[%dma_start3A_229, %dma_start3A_230] : memref<200x128xf32, #tpu.memory_space<vmem>> -> memref<100x128xf32, #tpu.memory_space<vmem>>
        %dma_start3A_232 = arith.constant 0 : i32
        %dma_start3A_233 = tpu.memref_slice %arg7[%add3A_228, %dma_start3A_232] : memref<40x100xi32, #tpu.memory_space<vmem>> -> memref<1x100xi32, #tpu.memory_space<vmem>>
        %dma_start3A_234 = tpu.memref_squeeze %dma_start3A_233 : memref<1x100xi32, #tpu.memory_space<vmem>> -> memref<100xi32, #tpu.memory_space<vmem>>
        %dma_start3A_235 = arith.constant 0 : i32
        %dma_start3A_236 = arith.constant 0 : i32
        %dma_start3A_237 = tpu.memref_slice %arg4[%dma_start3A_235, %dma_start3A_236] : memref<2048x128xf32, #tpu.memory_space<hbm>> -> memref<2048x128xf32, #tpu.memory_space<hbm>>
        tpu.enqueue_indirect_dma source(%dma_start3A_237 : memref<2048x128xf32, #tpu.memory_space<hbm>>) target(%dma_start3A_231 : memref<100x128xf32, #tpu.memory_space<vmem>>) offsets(%dma_start3A_234 : memref<100xi32, #tpu.memory_space<vmem>>) semaphore(%arg13 : memref<!tpu.dma_semaphore, #tpu.memory_space<semaphore_mem>>)
      } else {
      }
      %scan3A_184 = arith.constant 0 : i32
      %scan3A_185 = arith.constant 0 : i32
      %scan3A_186 = arith.constant 200 : i32
      %scan3A_187 = arith.addi %scan3A_185, %scan3A_186 : i32
      %scan3A_188 = arith.constant 1 : i32
      scf.for %scan3A_197 = %scan3A_185 to %scan3A_187 step %scan3A_188  : i32 {
        %get3A_198 = arith.index_cast %scan3A_197 : i32 to index
        %get3A_199 = arith.constant 0 : index
        %get3A_200 = tpu.vector_load %arg9[%get3A_198, %get3A_199] {strides = array<i32>} : memref<200x128xf32, #tpu.memory_space<vmem>>, vector<1x16xf32>,
        %get3A_201 = vector.shape_cast %get3A_200 : vector<1x16xf32> to vector<16xf32>
        %mul3A_202 = arith.mulf %get3A_20, %get3A_201 : vector<16xf32>
        %get3A_203 = arith.index_cast %scan3A_197 : i32 to index
        %get3A_204 = arith.constant 0 : index
        %get3A_205 = tpu.vector_load %arg11[%get3A_203, %get3A_204] {strides = array<i32>} : memref<200x128xf32, #tpu.memory_space<vmem>>, vector<1x16xf32>,
        %get3A_206 = vector.shape_cast %get3A_205 : vector<1x16xf32> to vector<16xf32>
        %mul3A_207 = arith.mulf %get3A_23, %get3A_206 : vector<16xf32>
        %add3A_208 = arith.addf %mul3A_202, %mul3A_207 : vector<16xf32>
        %swap3A = arith.index_cast %scan3A_197 : i32 to index
        %swap3A_209 = arith.constant 0 : index
        %swap3A_210 = tpu.vector_load %arg9[%swap3A, %swap3A_209] {strides = array<i32>} : memref<200x128xf32, #tpu.memory_space<vmem>>, vector<1x16xf32>,
        %swap3A_211 = vector.shape_cast %swap3A_210 : vector<1x16xf32> to vector<16xf32>
        %swap3A_212 = vector.shape_cast %add3A_208 : vector<16xf32> to vector<1x16xf32>
        tpu.vector_store %arg9[%swap3A, %swap3A_209], %swap3A_212 {strides = array<i32>} : memref<200x128xf32, #tpu.memory_space<vmem>>, vector<1x16xf32>,
        %get3A_213 = arith.index_cast %scan3A_197 : i32 to index
        %get3A_214 = arith.constant 16 : index
        %get3A_215 = tpu.vector_load %arg9[%get3A_213, %get3A_214] {strides = array<i32>} : memref<200x128xf32, #tpu.memory_space<vmem>>, vector<1x16xf32>,
        %get3A_216 = vector.shape_cast %get3A_215 : vector<1x16xf32> to vector<16xf32>
        %mul3A_217 = arith.mulf %get3A_20, %get3A_216 : vector<16xf32>
        %get3A_218 = arith.index_cast %scan3A_197 : i32 to index
        %get3A_219 = arith.constant 16 : index
        %get3A_220 = tpu.vector_load %arg11[%get3A_218, %get3A_219] {strides = array<i32>} : memref<200x128xf32, #tpu.memory_space<vmem>>, vector<1x16xf32>,
        %get3A_221 = vector.shape_cast %get3A_220 : vector<1x16xf32> to vector<16xf32>
        %mul3A_222 = arith.mulf %get3A_23, %get3A_221 : vector<16xf32>
        %add3A_223 = arith.addf %mul3A_217, %mul3A_222 : vector<16xf32>
        %swap3A_224 = arith.index_cast %scan3A_197 : i32 to index
        %swap3A_225 = arith.constant 16 : index
        %swap3A_226 = tpu.vector_load %arg9[%swap3A_224, %swap3A_225] {strides = array<i32>} : memref<200x128xf32, #tpu.memory_space<vmem>>, vector<1x16xf32>,
        %swap3A_227 = vector.shape_cast %swap3A_226 : vector<1x16xf32> to vector<16xf32>
        %swap3A_228 = vector.shape_cast %add3A_223 : vector<16xf32> to vector<1x16xf32>
        tpu.vector_store %arg9[%swap3A_224, %swap3A_225], %swap3A_228 {strides = array<i32>} : memref<200x128xf32, #tpu.memory_space<vmem>>, vector<1x16xf32>,
        %get3A_229 = arith.index_cast %scan3A_197 : i32 to index
        %get3A_230 = arith.constant 32 : index
        %get3A_231 = tpu.vector_load %arg9[%get3A_229, %get3A_230] {strides = array<i32>} : memref<200x128xf32, #tpu.memory_space<vmem>>, vector<1x16xf32>,
        %get3A_232 = vector.shape_cast %get3A_231 : vector<1x16xf32> to vector<16xf32>
        %mul3A_233 = arith.mulf %get3A_20, %get3A_232 : vector<16xf32>
        %get3A_234 = arith.index_cast %scan3A_197 : i32 to index
        %get3A_235 = arith.constant 32 : index
        %get3A_236 = tpu.vector_load %arg11[%get3A_234, %get3A_235] {strides = array<i32>} : memref<200x128xf32, #tpu.memory_space<vmem>>, vector<1x16xf32>,
        %get3A_237 = vector.shape_cast %get3A_236 : vector<1x16xf32> to vector<16xf32>
        %mul3A_238 = arith.mulf %get3A_23, %get3A_237 : vector<16xf32>
        %add3A_239 = arith.addf %mul3A_233, %mul3A_238 : vector<16xf32>
        %swap3A_240 = arith.index_cast %scan3A_197 : i32 to index
        %swap3A_241 = arith.constant 32 : index
        %swap3A_242 = tpu.vector_load %arg9[%swap3A_240, %swap3A_241] {strides = array<i32>} : memref<200x128xf32, #tpu.memory_space<vmem>>, vector<1x16xf32>,
        %swap3A_243 = vector.shape_cast %swap3A_242 : vector<1x16xf32> to vector<16xf32>
        %swap3A_244 = vector.shape_cast %add3A_239 : vector<16xf32> to vector<1x16xf32>
        tpu.vector_store %arg9[%swap3A_240, %swap3A_241], %swap3A_244 {strides = array<i32>} : memref<200x128xf32, #tpu.memory_space<vmem>>, vector<1x16xf32>,
        %get3A_245 = arith.index_cast %scan3A_197 : i32 to index
        %get3A_246 = arith.constant 48 : index
        %get3A_247 = tpu.vector_load %arg9[%get3A_245, %get3A_246] {strides = array<i32>} : memref<200x128xf32, #tpu.memory_space<vmem>>, vector<1x16xf32>,
        %get3A_248 = vector.shape_cast %get3A_247 : vector<1x16xf32> to vector<16xf32>
        %mul3A_249 = arith.mulf %get3A_20, %get3A_248 : vector<16xf32>
        %get3A_250 = arith.index_cast %scan3A_197 : i32 to index
        %get3A_251 = arith.constant 48 : index
        %get3A_252 = tpu.vector_load %arg11[%get3A_250, %get3A_251] {strides = array<i32>} : memref<200x128xf32, #tpu.memory_space<vmem>>, vector<1x16xf32>,
        %get3A_253 = vector.shape_cast %get3A_252 : vector<1x16xf32> to vector<16xf32>
        %mul3A_254 = arith.mulf %get3A_23, %get3A_253 : vector<16xf32>
        %add3A_255 = arith.addf %mul3A_249, %mul3A_254 : vector<16xf32>
        %swap3A_256 = arith.index_cast %scan3A_197 : i32 to index
        %swap3A_257 = arith.constant 48 : index
        %swap3A_258 = tpu.vector_load %arg9[%swap3A_256, %swap3A_257] {strides = array<i32>} : memref<200x128xf32, #tpu.memory_space<vmem>>, vector<1x16xf32>,
        %swap3A_259 = vector.shape_cast %swap3A_258 : vector<1x16xf32> to vector<16xf32>
        %swap3A_260 = vector.shape_cast %add3A_255 : vector<16xf32> to vector<1x16xf32>
        tpu.vector_store %arg9[%swap3A_256, %swap3A_257], %swap3A_260 {strides = array<i32>} : memref<200x128xf32, #tpu.memory_space<vmem>>, vector<1x16xf32>,
        %get3A_261 = arith.index_cast %scan3A_197 : i32 to index
        %get3A_262 = arith.constant 64 : index
        %get3A_263 = tpu.vector_load %arg9[%get3A_261, %get3A_262] {strides = array<i32>} : memref<200x128xf32, #tpu.memory_space<vmem>>, vector<1x16xf32>,
        %get3A_264 = vector.shape_cast %get3A_263 : vector<1x16xf32> to vector<16xf32>
        %mul3A_265 = arith.mulf %get3A_20, %get3A_264 : vector<16xf32>
        %get3A_266 = arith.index_cast %scan3A_197 : i32 to index
        %get3A_267 = arith.constant 64 : index
        %get3A_268 = tpu.vector_load %arg11[%get3A_266, %get3A_267] {strides = array<i32>} : memref<200x128xf32, #tpu.memory_space<vmem>>, vector<1x16xf32>,
        %get3A_269 = vector.shape_cast %get3A_268 : vector<1x16xf32> to vector<16xf32>
        %mul3A_270 = arith.mulf %get3A_23, %get3A_269 : vector<16xf32>
        %add3A_271 = arith.addf %mul3A_265, %mul3A_270 : vector<16xf32>
        %swap3A_272 = arith.index_cast %scan3A_197 : i32 to index
        %swap3A_273 = arith.constant 64 : index
        %swap3A_274 = tpu.vector_load %arg9[%swap3A_272, %swap3A_273] {strides = array<i32>} : memref<200x128xf32, #tpu.memory_space<vmem>>, vector<1x16xf32>,
        %swap3A_275 = vector.shape_cast %swap3A_274 : vector<1x16xf32> to vector<16xf32>
        %swap3A_276 = vector.shape_cast %add3A_271 : vector<16xf32> to vector<1x16xf32>
        tpu.vector_store %arg9[%swap3A_272, %swap3A_273], %swap3A_276 {strides = array<i32>} : memref<200x128xf32, #tpu.memory_space<vmem>>, vector<1x16xf32>,
        %get3A_277 = arith.index_cast %scan3A_197 : i32 to index
        %get3A_278 = arith.constant 80 : index
        %get3A_279 = tpu.vector_load %arg9[%get3A_277, %get3A_278] {strides = array<i32>} : memref<200x128xf32, #tpu.memory_space<vmem>>, vector<1x16xf32>,
        %get3A_280 = vector.shape_cast %get3A_279 : vector<1x16xf32> to vector<16xf32>
        %mul3A_281 = arith.mulf %get3A_20, %get3A_280 : vector<16xf32>
        %get3A_282 = arith.index_cast %scan3A_197 : i32 to index
        %get3A_283 = arith.constant 80 : index
        %get3A_284 = tpu.vector_load %arg11[%get3A_282, %get3A_283] {strides = array<i32>} : memref<200x128xf32, #tpu.memory_space<vmem>>, vector<1x16xf32>,
        %get3A_285 = vector.shape_cast %get3A_284 : vector<1x16xf32> to vector<16xf32>
        %mul3A_286 = arith.mulf %get3A_23, %get3A_285 : vector<16xf32>
        %add3A_287 = arith.addf %mul3A_281, %mul3A_286 : vector<16xf32>
        %swap3A_288 = arith.index_cast %scan3A_197 : i32 to index
        %swap3A_289 = arith.constant 80 : index
        %swap3A_290 = tpu.vector_load %arg9[%swap3A_288, %swap3A_289] {strides = array<i32>} : memref<200x128xf32, #tpu.memory_space<vmem>>, vector<1x16xf32>,
        %swap3A_291 = vector.shape_cast %swap3A_290 : vector<1x16xf32> to vector<16xf32>
        %swap3A_292 = vector.shape_cast %add3A_287 : vector<16xf32> to vector<1x16xf32>
        tpu.vector_store %arg9[%swap3A_288, %swap3A_289], %swap3A_292 {strides = array<i32>} : memref<200x128xf32, #tpu.memory_space<vmem>>, vector<1x16xf32>,
        %get3A_293 = arith.index_cast %scan3A_197 : i32 to index
        %get3A_294 = arith.constant 96 : index
        %get3A_295 = tpu.vector_load %arg9[%get3A_293, %get3A_294] {strides = array<i32>} : memref<200x128xf32, #tpu.memory_space<vmem>>, vector<1x16xf32>,
        %get3A_296 = vector.shape_cast %get3A_295 : vector<1x16xf32> to vector<16xf32>
        %mul3A_297 = arith.mulf %get3A_20, %get3A_296 : vector<16xf32>
        %get3A_298 = arith.index_cast %scan3A_197 : i32 to index
        %get3A_299 = arith.constant 96 : index
        %get3A_300 = tpu.vector_load %arg11[%get3A_298, %get3A_299] {strides = array<i32>} : memref<200x128xf32, #tpu.memory_space<vmem>>, vector<1x16xf32>,
        %get3A_301 = vector.shape_cast %get3A_300 : vector<1x16xf32> to vector<16xf32>
        %mul3A_302 = arith.mulf %get3A_23, %get3A_301 : vector<16xf32>
        %add3A_303 = arith.addf %mul3A_297, %mul3A_302 : vector<16xf32>
        %swap3A_304 = arith.index_cast %scan3A_197 : i32 to index
        %swap3A_305 = arith.constant 96 : index
        %swap3A_306 = tpu.vector_load %arg9[%swap3A_304, %swap3A_305] {strides = array<i32>} : memref<200x128xf32, #tpu.memory_space<vmem>>, vector<1x16xf32>,
        %swap3A_307 = vector.shape_cast %swap3A_306 : vector<1x16xf32> to vector<16xf32>
        %swap3A_308 = vector.shape_cast %add3A_303 : vector<16xf32> to vector<1x16xf32>
        tpu.vector_store %arg9[%swap3A_304, %swap3A_305], %swap3A_308 {strides = array<i32>} : memref<200x128xf32, #tpu.memory_space<vmem>>, vector<1x16xf32>,
        %get3A_309 = arith.index_cast %scan3A_197 : i32 to index
        %get3A_310 = arith.constant 112 : index
        %get3A_311 = tpu.vector_load %arg9[%get3A_309, %get3A_310] {strides = array<i32>} : memref<200x128xf32, #tpu.memory_space<vmem>>, vector<1x16xf32>,
        %get3A_312 = vector.shape_cast %get3A_311 : vector<1x16xf32> to vector<16xf32>
        %mul3A_313 = arith.mulf %get3A_20, %get3A_312 : vector<16xf32>
        %get3A_314 = arith.index_cast %scan3A_197 : i32 to index
        %get3A_315 = arith.constant 112 : index
        %get3A_316 = tpu.vector_load %arg11[%get3A_314, %get3A_315] {strides = array<i32>} : memref<200x128xf32, #tpu.memory_space<vmem>>, vector<1x16xf32>,
        %get3A_317 = vector.shape_cast %get3A_316 : vector<1x16xf32> to vector<16xf32>
        %mul3A_318 = arith.mulf %get3A_23, %get3A_317 : vector<16xf32>
        %add3A_319 = arith.addf %mul3A_313, %mul3A_318 : vector<16xf32>
        %swap3A_320 = arith.index_cast %scan3A_197 : i32 to index
        %swap3A_321 = arith.constant 112 : index
        %swap3A_322 = tpu.vector_load %arg9[%swap3A_320, %swap3A_321] {strides = array<i32>} : memref<200x128xf32, #tpu.memory_space<vmem>>, vector<1x16xf32>,
        %swap3A_323 = vector.shape_cast %swap3A_322 : vector<1x16xf32> to vector<16xf32>
        %swap3A_324 = vector.shape_cast %add3A_319 : vector<16xf32> to vector<1x16xf32>
        tpu.vector_store %arg9[%swap3A_320, %swap3A_321], %swap3A_324 {strides = array<i32>} : memref<200x128xf32, #tpu.memory_space<vmem>>, vector<1x16xf32>,
      }
      %scan3A_189 = arith.constant 200 : i32
      %mul3A_190 = arith.constant 200 : i32
      %mul3A_191 = arith.muli %add3A_98, %mul3A_190 : i32
      %add3A_192 = arith.addi %add3A, %mul3A_191 : i32
      %dma_start3A_193 = arith.constant 0 : i32
      %dma_start3A_194 = tpu.memref_slice %arg6[%add3A_192, %dma_start3A_193] : memref<100000x128xf32, #tpu.memory_space<hbm>> -> memref<200x128xf32, #tpu.memory_space<hbm>>
      %dma_start3A_195 = arith.constant 0 : i32
      %dma_start3A_196 = tpu.memref_slice %arg6[%add3A_192, %dma_start3A_195] : memref<100000x128xf32, #tpu.memory_space<hbm>> -> memref<200x128xf32, #tpu.memory_space<hbm>>
      tpu.enqueue_dma source(%arg9 : memref<200x128xf32, #tpu.memory_space<vmem>>) target(%dma_start3A_196 : memref<200x128xf32, #tpu.memory_space<hbm>>) target_semaphore(%arg16 : memref<!tpu.dma_semaphore, #tpu.memory_space<semaphore_mem>>)
    }
    %dma_wait3A = arith.constant 0 : i32
    %dma_wait3A_83 = arith.constant 0 : i32
    %dma_wait3A_84 = tpu.memref_slice %arg6[%dma_wait3A, %dma_wait3A_83] : memref<100000x128xf32, #tpu.memory_space<hbm>> -> memref<200x128xf32, #tpu.memory_space<hbm>>
    %dma_wait3A_85 = arith.constant 0 : i32
    %dma_wait3A_86 = arith.constant 0 : i32
    %dma_wait3A_87 = tpu.memref_slice %arg6[%dma_wait3A_85, %dma_wait3A_86] : memref<100000x128xf32, #tpu.memory_space<hbm>> -> memref<200x128xf32, #tpu.memory_space<hbm>>
    tpu.wait_dma2 semaphore(%arg15 : memref<!tpu.dma_semaphore, #tpu.memory_space<semaphore_mem>>) src(%arg8 : memref<200x128xf32, #tpu.memory_space<vmem>>) dst(%dma_wait3A_87 : memref<200x128xf32, #tpu.memory_space<hbm>>)
    %dma_wait3A_88 = arith.constant 0 : i32
    %dma_wait3A_89 = arith.constant 0 : i32
    %dma_wait3A_90 = tpu.memref_slice %arg6[%dma_wait3A_88, %dma_wait3A_89] : memref<100000x128xf32, #tpu.memory_space<hbm>> -> memref<200x128xf32, #tpu.memory_space<hbm>>
    %dma_wait3A_91 = arith.constant 0 : i32
    %dma_wait3A_92 = arith.constant 0 : i32
    %dma_wait3A_93 = tpu.memref_slice %arg6[%dma_wait3A_91, %dma_wait3A_92] : memref<100000x128xf32, #tpu.memory_space<hbm>> -> memref<200x128xf32, #tpu.memory_space<hbm>>
    tpu.wait_dma2 semaphore(%arg16 : memref<!tpu.dma_semaphore, #tpu.memory_space<semaphore_mem>>) src(%arg9 : memref<200x128xf32, #tpu.memory_space<vmem>>) dst(%dma_wait3A_93 : memref<200x128xf32, #tpu.memory_space<hbm>>)
    return
  }
}

</mosaic_0001>

<sc_bundles>
// kernel: kernel.3.cloned.1.call-start
scs
__scs_entry_jumppad:
0x0: {  	(pc) =	sbr.rel $0x88, $3  }
0x1: {  	(tag) =	ssettag $0x0;
	lr =	simm.s32 $0x1  }
0x2: {  	[smem:$0x3F9C] =	sst lr;
	_ =	strace $0xD0000000  }
0x3: {  	_ = 	snop  }
0x4: {  	_ = 	snop  }
0x5: {  	_ = 	snop  }
0x6: {  	_ = 	snop  }
0x7: {  	_ = 	snop  }
__scs_overlays_trampoline_lowered:
0x8: {  	[smem:$0x3FAB] =	sst s0  }
0x9: {  	[smem:$0x3FAC] =	sst s1  }
0xa: {  	[smem:$0x3FAD] =	sst s2  }
0xb: {  	[smem:$0x3FAE] =	sst s3  }
0xc: {  	[smem:$0x3FAF] =	sst s4  }
0xd: {  	[smem:$0x3FB0] =	sst s5  }
0xe: {  	[smem:$0x3FB1] =	sst s6  }
0xf: {  	[smem:$0x3FB2] =	sst s7  }
0x10: {  	[smem:$0x3FB3] =	sst s8  }
0x11: {  	[smem:$0x3FB4] =	sst s9;
	s0 =	simm.s32 @!p0 $0x0  }
0x12: {  	s1 =	sld [smem:$0x3F9A];
	s0 =	simm.s32 @p0 $0x1  }
0x13: {  	[smem:$0x3FB5] =	sst s0;
	s0 =	simm.s32 @!p1 $0x0  }
0x14: {  	s2 =	sld [smem:$0x3F99];
	s0 =	simm.s32 @p1 $0x1  }
0x15: {  	[smem:$0x3FB6] =	sst s0;
	s0 =	simm.s32 @!p2 $0x0  }
0x16: {  	s3 =	sld [smem:$0x3FDB];
	s0 =	simm.s32 @p2 $0x1  }
0x17: {  	s4 =	simm.s32 $0x1BF5;
	[smem:$0x3FB8] =	sst s0  }
0x18: {  	s0 =	sld [smem:$0x3F9B];
	_ =	swait.ge [sflag:s4], $0x0  }
0x19: {  	s7 =	sld [smem:$0x3F9C]  }
0x1a: {  	s8 =	sadd.s32 $0xFFFFE003, lr  }
0x1b: {  	s9 =	sadd.s32 $0xFFFFFEF7, lr;
	s5 =	simm.s32 $0xFFFFFFFF;
	p2 =	slt.u32 s8, $0xFFFFF086  }
0x1c: {  	p1 =	slt.u32 s9, $0xF7A;
	s5 =	simm.s32 @!p2 $0x0  }
0x1d: {  	s5 =	simm.s32 @p1 $0x1;
	p0 =	seq.s32 s7, s2  }
0x1e: {  	s7 =	smul.u32 @!p0 $0xF7A, s2;
	p2 =	seq.s32 @!p0 s5, $0x0  }
0x1f: {  	s9 =	smul.u32 $0xF7A, s1;
	s8 =	simm.s32 @!p0 $0x1BF5;
	p2 =	por !p2, p0  }
0x20: {  	[sflag:s8] =	ssyncset.s32 @!p0 $0xFFFFF086;
	s6 =	sadd.s32 @!p0 s3, s7;
	s7 =	simm.s32 @!p0 $0x108  }
0x21: {  	s3 =	sadd.s32 s3, s9;
	s6 =	sadd.s32 @!p0 $0x88, s6;
	s7 =	simm.s32 @p2 $0x1082  }
0x22: {  	[simem:s7], [sflag:s8] =	dma.local @!p0 [hbm:s6], $0xF7A  }
0x23: {  	s9 =	sor.u32 $0xD0000000, s2;
	s6 =	simm.s32 $0x108;
	_ =	swait.ge @!p0 [sflag:s8], $0x0  }
0x24: {  	s3 =	sadd.s32 $0x88, s3;
	s6 =	simm.s32 @!p1 $0x1082;
	[sflag:s4] =	ssyncset.s32 $0xFFFFF086  }
0x25: {  	[simem:s6], [sflag:s4] =	dma.local [hbm:s3], $0xF7A  }
0x26: {  	[smem:$0x3F9C] =	sst s1;
	(tag) =	ssettag s2;
	_ =	strace s9  }
0x27: {  	s1 =	sld [smem:$0x3FAC]  }
0x28: {  	s2 =	sld [smem:$0x3FAD]  }
0x29: {  	s4 =	sld [smem:$0x3FAF]  }
0x2a: {  	p0 =	seq.s32 s5, $0x0;
	s5 =	sld [smem:$0x3FB0]  }
0x2b: {  	s6 =	sld [smem:$0x3FB1]  }
0x2c: {  	s7 =	sld [smem:$0x3FB2]  }
0x2d: {  	s3 =	simm.s32 $0x108;
	s8 =	sld [smem:$0x3FB3]  }
0x2e: {  	s3 =	simm.s32 @!p0 $0x1082;
	s9 =	sld [smem:$0x3FB4]  }
0x2f: {  	lr =	sadd.s32 s0, s3;
	s0 =	sld [smem:$0x3FAB]  }
0x30: {  	s3 =	sld [smem:$0x3FAE]  }
0x31: {  	[smem:$0x3FB7] =	sst s10  }
0x32: {  	s10 =	sld [smem:$0x3FB5];
	_ =	sdelay $0x3  }
0x33: {  	p0 =	seq.s32 s10, $0x1;
	s10 =	sld [smem:$0x3FB7];
	_ =	sdelay $0x3  }
0x34: {  	[smem:$0x3FB7] =	sst s10  }
0x35: {  	s10 =	sld [smem:$0x3FB6];
	_ =	sdelay $0x3  }
0x36: {  	p1 =	seq.s32 s10, $0x1;
	s10 =	sld [smem:$0x3FB7];
	_ =	sdelay $0x3  }
0x37: {  	[smem:$0x3FB7] =	sst s10  }
0x38: {  	s10 =	sld [smem:$0x3FB8]  }
0x39: {  	_ = 	snop;
	(pc) =	sbr.ind lr, $3  }
0x3a: {  	_ = 	snop  }
0x3b: {  	_ = 	snop  }
0x3c: {  	p2 =	seq.s32 s10, $0x1;
	s10 =	sld [smem:$0x3FB7]  }
0x3d: {  	_ =	shalt  }
0x3e: {  	_ =	shalt  }
0x3f: {  	_ =	shalt  }
0x40: {  	_ =	shalt  }
0x41: {  	_ =	shalt  }
0x42: {  	_ =	shalt  }
0x43: {  	_ =	shalt  }
0x44: {  	_ =	shalt  }
0x45: {  	_ =	shalt  }
0x46: {  	_ =	shalt  }
0x47: {  	_ =	shalt  }
0x48: {  	_ =	shalt  }
0x49: {  	_ =	shalt  }
0x4a: {  	_ =	shalt  }
0x4b: {  	_ =	shalt  }
0x4c: {  	_ =	shalt  }
0x4d: {  	_ =	shalt  }
0x4e: {  	_ =	shalt  }
0x4f: {  	_ =	shalt  }
0x50: {  	_ =	shalt  }
0x51: {  	_ =	shalt  }
0x52: {  	_ =	shalt  }
0x53: {  	_ =	shalt  }
0x54: {  	_ =	shalt  }
0x55: {  	_ =	shalt  }
0x56: {  	_ =	shalt  }
0x57: {  	_ =	shalt  }
0x58: {  	_ =	shalt  }
0x59: {  	_ =	shalt  }
0x5a: {  	_ =	shalt  }
0x5b: {  	_ =	shalt  }
0x5c: {  	_ =	shalt  }
0x5d: {  	_ =	shalt  }
0x5e: {  	_ =	shalt  }
0x5f: {  	_ =	shalt  }
0x60: {  	_ =	shalt  }
0x61: {  	_ =	shalt  }
0x62: {  	_ =	shalt  }
0x63: {  	_ =	shalt  }
0x64: {  	_ =	shalt  }
0x65: {  	_ =	shalt  }
0x66: {  	_ =	shalt  }
0x67: {  	_ =	shalt  }
0x68: {  	_ =	shalt  }
0x69: {  	_ =	shalt  }
0x6a: {  	_ =	shalt  }
0x6b: {  	_ =	shalt  }
0x6c: {  	_ =	shalt  }
0x6d: {  	_ =	shalt  }
0x6e: {  	_ =	shalt  }
0x6f: {  	_ =	shalt  }
0x70: {  	_ =	shalt  }
0x71: {  	_ =	shalt  }
0x72: {  	_ =	shalt  }
0x73: {  	_ =	shalt  }
0x74: {  	_ =	shalt  }
0x75: {  	_ =	shalt  }
0x76: {  	_ =	shalt  }
0x77: {  	_ =	shalt  }
0x78: {  	_ =	shalt  }
0x79: {  	_ =	shalt  }
0x7a: {  	_ =	shalt  }
0x7b: {  	_ =	shalt  }
0x7c: {  	_ =	shalt  }
0x7d: {  	_ =	shalt  }
0x7e: {  	_ =	shalt  }
0x7f: {  	_ =	shalt  }
0x80: {  	_ =	shalt  }
0x81: {  	_ =	shalt  }
0x82: {  	_ =	shalt  }
0x83: {  	_ =	shalt  }
0x84: {  	_ =	shalt  }
0x85: {  	_ =	shalt  }
0x86: {  	_ =	shalt  }
0x87: {  	_ =	shalt  }
.Lfunc_end0:
.L_simem_size_0:
called_computation_lowered:
.L_overlay_start_0:
0x88: {  	s2 =	sld [smem:$0x3FD9]  }
0x89: {  	s3 =	sld [smem:$0x3FFE];
	_ =	sdelay $0x1  }
0x8a: {  	s1 =	srdreg.scid  }
0x8b: {  	s0 =	sand.u32 $0x1, s1  }
0x8c: {  	s17 =	sshll.u32 s0, $0xA;
	s2 =	sadd.s32 s3, s2  }
0x8d: {  	s2 =	sadd.s32 s2, s17  }
0x8e: {  	[smem:$0x3FC3] =	sst s2  }
0x8f: {  	_ = 	snop  }
0x90: {  	s2 =	sld [smem:$0x3FC9]  }
0x91: {  	s18 =	sld [smem:$0x3FC7]  }
0x92: {  	s4 =	sld [smem:$0x3FD0];
	(tm) =	ssettm $0x1  }
0x93: {  	s5 =	sld [smem:$0x3FFB];
	_ =	sdelay $0x3  }
0x94: {  	_ =	strace s5  }
0x95: {  	s5 =	sld [smem:$0x3FFC];
	_ =	sdelay $0x3  }
0x96: {  	_ =	strace s5  }
0x97: {  	s5 =	sld [smem:$0x3FFD];
	_ =	sdelay $0x3  }
0x98: {  	_ =	strace s5  }
0x99: {  	_ =	strace $0x8FFFFFFF  }
0x9a: {  	s19 =	sld [smem:$0x3FDB];
	_ =	sdelay $0x1  }
0x9b: {  	s6 =	simm.s32 $_scs_section_size  }
0x9c: {  	s7 =	simm.s32 $_size__tile_overlayer_lowered;
	s8 =	simm.s32 $_tile_overlayer_lowered  }
0x9d: {  	s22 =	simm.s32 $0x1BFF;
	s21 =	sshll.u32 s8, $0x1;
	s5 =	sadd.s32 s6, s19  }
0x9e: {  	s9 =	simm.s32 $0x0;
	s20 =	sshll.u32 s7, $0x1;
	s7 =	sadd.s32 s21, s5  }
0x9f: {  	[timem:s9], [sflag:s22] =	dma.local [hbm:s7], s20  }
0xa0: {  	_ =	swait.ge [sflag:s22], s20  }
0xa1: {  	s6 =	ssub.s32 $0x0, s20;
	[sflag:s22] =	ssyncset.done $0x0  }
0xa2: {  	[sflag:s22] =	ssyncadd.s32 s6;
	_ =	sdelay $0x1  }
0xa3: {  	s23 =	simm.s32 $0x1B8B  }
0xa4: {  	_ =	swait.ge [sflag:s23], $0x1  }
0xa5: {  	[sflag:s23] =	ssyncset.done $0x0  }
0xa6: {  	s25 =	simm.s32 $0x1B8E;
	s24 =	sld [smem:$0x3FFE];
	[sflag:s23] =	ssyncadd.s32 $0xFFFFFFFF  }
0xa7: {  	s26 =	simm.s32 $execute0_lowered;
	[smem:$0x3FD2] =	sst s25  }
0xa8: {  	s7 =	sshll.u32 s26, $0x1;
	_ =	strace $0x80000046;
	[dreg:$0x1] =	wrdreg $0xFFFFFFFF  }
0xa9: {  	s28 =	simm.s32 $_size_execute0_lowered;
	s5 =	sadd.s32 s5, s7;
	[dreg:$0x0] =	wrdreg $0x0  }
0xaa: {  	s7 =	sshll.u32 s28, $0x1;
	[dreg:$0x2] =	wrdreg s5  }
0xab: {  	[dreg:$0x3] =	wrdreg s7  }
0xac: {  	[dreg:$0x4] =	wrdreg $0xC0  }
0xad: {  	_ =	task [dreg:s9], $0x5FFFF  }
0xae: {  	[dreg:$0x1] =	wrdreg $0xFFFFFFFF  }
0xaf: {  	[dreg:$0x0] =	wrdreg $0x60  }
0xb0: {  	[dreg:$0x2] =	wrdreg s2  }
0xb1: {  	[dreg:$0x3] =	wrdreg s24  }
0xb2: {  	[dreg:$0x4] =	wrdreg s18  }
0xb3: {  	[dreg:$0x5] =	wrdreg s4  }
0xb4: {  	[dreg:$0x6] =	wrdreg $0x9  }
0xb5: {  	_ =	task.clear_ibuf [dreg:s9], $0x7FFFF;
	_ =	strace $0x90000046  }
0xb6: {  	s29 =	simm.s32 $0x9;
	_ =	strace $0x80000048  }
0xb7: {  	_ =	swait.ge [sflag:s29], $0x1  }
0xb8: {  	[sflag:s29] =	ssyncadd.s32 $0xFFFFFFFF  }
0xb9: {  	_ =	strace $0x90000048  }
0xba: {  	_ =	sfence  }
0xbb: {  	s30 =	sld [smem:$0x0];
	_ =	sdelay $0x2  }
0xbc: {  	s31 =	sshll.u32 s1, $0xD;
	s1 =	sshrl.u32 s1, $0x2  }
0xbd: {  	s3 =	sand.u32 $0x4000, s31;
	s1 =	sadd.s32 s1, s30  }
0xbe: {  	s0 =	sor.u32 s3, s0;
	s1 =	sshll.u32 s1, $0x11  }
0xbf: {  	s0 =	sor.u32 s1, s0  }
0xc0: {  	s0 =	sadd.s32 $0x8F2B, s0  }
0xc1: {  	[sflag:s0] =	ssyncadd.remote.s32 $0x1  }
0xc2: {  	_ =	sfence.sel $0xFFFF  }
0xc3: {  	[dreg:$0x0] =	wrdreg $0xFFFFFFFF;
	(pc) =	sbr.abs _section_cstart, $3  }
0xc4: {  	[dreg:$0x1] =	wrdreg $0xFFFFFFFF  }
0xc5: {  	_ =	task.clear_ibuf [dreg:s9], $0x2FFFF;
	_ =	strace $0x9FFFFFFF  }
0xc6: {  	(tm) =	ssettm $0x7FFFFFFF  }
0xc7: {  	_ =	shalt  }
tec
execute0_lowered:
.L_overlay_start_1:
0x0: {  	(tag) =	ssettag $0x1  }
0x1: {  	s1 =	rddreg [dreg:$0x0]  }
0x2: {  	s2 =	rddreg [dreg:$0x1]  }
0x3: {  	s0 =	srdreg.scid;
	s3 =	rddreg [dreg:$0x2]  }
0x4: {  	s12 =	stileid.u32;
	s4 =	rddreg [dreg:$0x3];
	s16 =	simm.s32 $0x5  }
0x5: {  	s17 =	simm.s32 $0x1400;
	s18 =	simm.s32 $0x64;
	s20 =	simm.s32 $0x10E00  }
0x6: {  	s21 =	simm.s32 $0x1;
	s22 =	simm.s32 $0x7800;
	s23 =	simm.s32 $0x14000  }
0x7: {  	s24 =	simm.s32 $0x17200;
	s25 =	simm.s32 $0x2;
	s26 =	simm.s32 $0x3  }
0x8: {  	s28 =	simm.s32 $0x4;
	s0 =	sand.u32 $0x1, s0;
	s10 =	smul.u32 $0xC80, s12  }
0x9: {  	s29 =	simm.s32 $0x0;
	s6 =	sshll.u32 s12, $0x9;
	s5 =	smul.u32 $0x1F40, s0  }
0xa: {  	p0 =	seq.s32 s12, $0xF;
	s8 =	smul.u32 $0xC350, s0;
	s30 =	ssub.s32 $0x2, s0  }
0xb: {  	s7 =	sshll.u32 s0, $0x6;
	s11 =	sshrl.u32 s30, $0x1;
	s6 =	sadd.s32 s5, s6  }
0xc: {  	s5 =	simm.s32 $0x0;
	s8 =	sadd.s32 s10, s8;
	s10 =	sshll.u32 s0, $0x9  }
0xd: {  	s6 =	ssub.s32 s6, s7;
	[smem:$0x7FF] =	sst s5;
	s7 =	simm.s32 $0xA  }
0xe: {  	s31 =	sshll.u32 s8, $0x4;
	s12 =	sor.u32 $0x80, s10;
	s6 =	sand.u32 $0xFFFFF80, s6  }
0xf: {  	_ =	strace $0x80000047;
	s7 =	simm.s32 @!p0 $0x10;
	s9 =	sadd.s32 s6, s2  }
0x10: {  	s6 =	sadd.s32 $0x4600, s2;
	s2 =	ssub.s32 s30, s11;
	s11 =	sadd.s32 s1, s31  }
0x11: {  	s13 =	sshrl.u32 s7, $0x1;
	s9 =	sadd.s32 $0x600, s9;
	s14 =	smax.u32 s2, $0x1  }
.LBB2_1:
0x12: {  	s0 =	simm.s32 @p0 $0x0  }
0x13: {  	[tilespmem:s0], [sflag:$0x5] =	stream.linear.gather @p0 [hbm4b:s9+s0], $0xC00, $0x38;
	[tilespmem:$0x1A480] =	vst v63  }
0x14: {  	s0 =	simm.s32 @p0 $0x5  }
0x15: {  	_ =	swait.ge @p0 [sflag:s0], $0xC00  }
0x16: {  	[sflag:s0] =	ssyncset.done @p0 $0x0  }
0x17: {  	[sflag:s0] =	ssyncadd.s32 @p0 $0xFFFFF400;
	s0 =	simm.s32 @!p0 $0x0  }
0x18: {  	[tilespmem:s0], [sflag:$0x5] =	stream.linear.gather @!p0 [hbm4b:s9+s0], $0x1400, $0x38;
	[tilespmem:$0x1A480] =	vst v63  }
0x19: {  	s0 =	simm.s32 @!p0 $0x5  }
0x1a: {  	_ =	swait.ge @!p0 [sflag:s0], $0x1400  }
0x1b: {  	[sflag:s0] =	ssyncset.done @!p0 $0x0  }
0x1c: {  	s19 =	simm.s32 $0x1A400;
	[sflag:s0] =	ssyncadd.s32 @!p0 $0xFFFFEC00  }
0x1d: {  	[tilespmem:s19], [sflag:$0x5] =	stream.linear.gather [hbm4b:s6+s5], $0x80, $0x38;
	[tilespmem:$0x1A480] =	vst v63  }
0x1e: {  	_ =	swait.ge [sflag:s16], $0x80  }
0x1f: {  	[sflag:s16] =	ssyncset.done $0x0  }
0x20: {  	[sflag:s16] =	ssyncadd.s32 $0xFFFFFF80  }
0x21: {  	v0 =	vld [tilespmem:$0x1A400]  }
0x22: {  	v1 =	vld [tilespmem:$0x1A410];
	[tilespmem:s17], [sflag:$0x1] =	stream.linear.gather [hbm4b:s11+s5], $0x6400, $0x38  }
0x23: {  	s31 =	simm.s32 $0xDC00  }
0x24: {  	[tilespmem:s31], [sflag:$0x1] =	stream.indirect.gather [hbm4b:s3+s18], $0x80, s10, s18, $0xb8;
	[tilespmem:$0x1A480] =	vst v63  }
0x25: {  	s30 =	simm.s32 $0x0  }
0x26: {  	[tilespmem:s20], [sflag:$0x1] =	stream.indirect.gather [hbm4b:s3+s18], $0x80, s12, s18, $0xb8;
	[tilespmem:$0x1A480] =	vst v63  }
.LBB2_2:
0x27: {  	_ =	swait.ge [sflag:s21], $0x6400  }
0x28: {  	[sflag:s21] =	ssyncset.done $0x0  }
0x29: {  	[sflag:s21] =	ssyncadd.s32 $0xFFFF9C00  }
0x2a: {  	s0 =	sshllo.u32 s30, $0x1;
	_ =	swait.ge [sflag:s21], $0x6400  }
0x2b: {  	p1 =	seq.s32 s30, $0x0;
	s2 =	smul.u32 $0xC8, s0;
	[sflag:s21] =	ssyncset.done $0x0  }
0x2c: {  	s15 =	simm.s32 @!p1 $0x4;
	[sflag:s21] =	ssyncadd.s32 $0xFFFF9C00  }
0x2d: {  	s19 =	simm.s32 $0x0;
	s2 =	sadd.s32 s8, s2;
	_ =	swait.ge @!p1 [sflag:s15], $0x6400  }
0x2e: {  	s0 =	sshll.u32 s0, $0xA;
	s31 =	sshll.u32 s2, $0x4;
	[sflag:s15] =	ssyncset.done @!p1 $0x0  }
0x2f: {  	s0 =	sshra.s32 s0, $0x2;
	s2 =	sadd.s32 s1, s31;
	[sflag:s15] =	ssyncadd.s32 @!p1 $0xFFFF9C00  }
0x30: {  	[tilespmem:s22], [sflag:$0x2] =	stream.linear.gather [hbm4b:s2+s19], $0x6400, $0x38;
	[tilespmem:$0x1A480] =	vst v63  }
0x31: {  	s0 =	sadd.s32 s0, s10  }
0x32: {  	[tilespmem:s23], [sflag:$0x2] =	stream.indirect.gather [hbm4b:s3+s18], $0x80, s0, s18, $0xb8;
	[tilespmem:$0x1A480] =	vst v63  }
0x33: {  	s0 =	sadd.s32 $0x80, s0  }
0x34: {  	[tilespmem:s24], [sflag:$0x2] =	stream.indirect.gather [hbm4b:s3+s18], $0x80, s0, s18, $0xb8;
	[tilespmem:$0x1A480] =	vst v63  }
0x35: {  	s0 =	simm.s32 $0x0  }
0x36: {  	v8 =	vld [tilespmem:s0+$0xDC00]  }
0x37: {  	v15 =	vld [tilespmem:s0+$0xDC10]  }
0x38: {  	v7 =	vld [tilespmem:s0+$0xDC20]  }
0x39: {  	v6 =	vld [tilespmem:s0+$0xDC30]  }
0x3a: {  	v5 =	vld [tilespmem:s0+$0xDC40]  }
0x3b: {  	v4 =	vld [tilespmem:s0+$0xDC50]  }
0x3c: {  	v3 =	vld [tilespmem:s0+$0xDC60]  }
0x3d: {  	v2 =	vld [tilespmem:s0+$0xDC70]  }
0x3e: {  	v9 =	vld [tilespmem:s0+$0x1400]  }
0x3f: {  	v13 =	vld [tilespmem:s0+$0x1410]  }
0x40: {  	v12 =	vld [tilespmem:s0+$0x1420]  }
0x41: {  	v11 =	vld [tilespmem:s0+$0x1430]  }
0x42: {  	v10 =	vld [tilespmem:s0+$0x1440]  }
0x43: {  	s19 =	sshll.u32 s30, $0x1;
	v14 =	vmul.f32 v9, v0;
	v16 =	vmul.f32 v8, v1;
	v9 =	vld [tilespmem:s0+$0x1450]  }
0x44: {  	s15 =	simm.s32 $0x200;
	s2 =	sadd.s32 $0x2, s19;
	v13 =	vmul.f32 v13, v0;
	v15 =	vmul.f32 v15, v1;
	v8 =	vld [tilespmem:s0+$0x1460]  }
.LBB2_3:
0x45: {  	s19 =	sshra.s32 s15, $0x2;
	p1 =	sne.s32 s15, $0x18E00;
	v14 =	vadd.f32 v16, v14;
	v12 =	vmul.f32 v12, v0;
	v7 =	vmul.f32 v7, v1;
	v16 =	vld [tilespmem:s0+$0x1470]  }
0x46: {  	v6 =	vmul.f32 v6, v1;
	v17 =	vld [tilespmem:s19+$0xDC00];
	v13 =	vadd.f32 v15, v13;
	v11 =	vmul.f32 v11, v0  }
0x47: {  	v5 =	vmul.f32 v5, v1;
	v15 =	vld [tilespmem:s19+$0xDC10];
	[tilespmem:s0+$0x1400] =	vst v14;
	v12 =	vadd.f32 v7, v12;
	v10 =	vmul.f32 v10, v0  }
0x48: {  	v4 =	vmul.f32 v4, v1;
	v7 =	vld [tilespmem:s19+$0xDC20];
	[tilespmem:s0+$0x1410] =	vst v13;
	v11 =	vadd.f32 v6, v11;
	v9 =	vmul.f32 v9, v0  }
0x49: {  	v3 =	vmul.f32 v3, v1;
	v6 =	vld [tilespmem:s19+$0xDC30];
	[tilespmem:s0+$0x1420] =	vst v12;
	v10 =	vadd.f32 v5, v10;
	v8 =	vmul.f32 v8, v0  }
0x4a: {  	v2 =	vmul.f32 v2, v1;
	v5 =	vld [tilespmem:s19+$0xDC40];
	[tilespmem:s0+$0x1430] =	vst v11;
	v9 =	vadd.f32 v4, v9;
	v11 =	vmul.f32 v16, v0  }
0x4b: {  	v4 =	vld [tilespmem:s19+$0xDC50];
	[tilespmem:s0+$0x1440] =	vst v10;
	v8 =	vadd.f32 v3, v8  }
0x4c: {  	v3 =	vld [tilespmem:s19+$0xDC60];
	[tilespmem:s0+$0x1450] =	vst v9;
	v9 =	vadd.f32 v2, v11  }
0x4d: {  	v2 =	vld [tilespmem:s19+$0xDC70];
	[tilespmem:s0+$0x1460] =	vst v8  }
0x4e: {  	v8 =	vld [tilespmem:s19+$0x1400];
	[tilespmem:s0+$0x1470] =	vst v9;
	s0 =	smov.u32 s19  }
0x4f: {  	v13 =	vld [tilespmem:s0+$0x1410]  }
.Ltmp0:
0x50: {  	v12 =	vld [tilespmem:s0+$0x1420];
	(pc) =	sbr.rel @p1 .LBB2_3-.Ltmp0, $4  }
0x51: {  	v11 =	vld [tilespmem:s0+$0x1430]  }
0x52: {  	v10 =	vld [tilespmem:s0+$0x1440]  }
0x53: {  	v16 =	vmul.f32 v17, v1;
	v14 =	vmul.f32 v8, v0;
	v9 =	vld [tilespmem:s0+$0x1450]  }
0x54: {  	s15 =	sadd.s32 $0x200, s15;
	v15 =	vmul.f32 v15, v1;
	v13 =	vmul.f32 v13, v0;
	v8 =	vld [tilespmem:s0+$0x1460]  }
0x55: {  	v14 =	vadd.f32 v16, v14;
	v12 =	vmul.f32 v12, v0;
	v7 =	vmul.f32 v7, v1;
	v16 =	vld [tilespmem:s0+$0x1470]  }
0x56: {  	v6 =	vmul.f32 v6, v1;
	v13 =	vadd.f32 v15, v13;
	v11 =	vmul.f32 v11, v0  }
0x57: {  	v5 =	vmul.f32 v5, v1;
	[tilespmem:s0+$0x1400] =	vst v14;
	v7 =	vadd.f32 v7, v12;
	v10 =	vmul.f32 v10, v0  }
0x58: {  	v4 =	vmul.f32 v4, v1;
	[tilespmem:s0+$0x1410] =	vst v13;
	v6 =	vadd.f32 v6, v11;
	v9 =	vmul.f32 v9, v0  }
0x59: {  	v3 =	vmul.f32 v3, v1;
	[tilespmem:s0+$0x1420] =	vst v7;
	v5 =	vadd.f32 v5, v10;
	v7 =	vmul.f32 v8, v0  }
0x5a: {  	v2 =	vmul.f32 v2, v1;
	s15 =	smul.u32 $0x190, s30;
	[tilespmem:s0+$0x1430] =	vst v6;
	v4 =	vadd.f32 v4, v9;
	v6 =	vmul.f32 v16, v0  }
0x5b: {  	[tilespmem:s0+$0x1440] =	vst v5;
	v3 =	vadd.f32 v3, v7  }
0x5c: {  	s15 =	sadd.s32 s8, s15;
	[tilespmem:s0+$0x1450] =	vst v4;
	v2 =	vadd.f32 v2, v6  }
0x5d: {  	s15 =	sshll.u32 s15, $0x4;
	[tilespmem:s0+$0x1460] =	vst v3  }
0x5e: {  	s19 =	sadd.s32 s4, s15;
	[tilespmem:s0+$0x1470] =	vst v2  }
0x5f: {  	[hbm4b:s19+s5] =	stream.linear.scatter [tilespmem:s17], [sflag:$0x3], $0x6400, $0x38;
	[tilespmem:$0x1A480] =	vst v63  }
0x60: {  	_ =	swait.ge [sflag:s25], $0x6400  }
0x61: {  	[sflag:s25] =	ssyncset.done $0x0  }
0x62: {  	[sflag:s25] =	ssyncadd.s32 $0xFFFF9C00  }
0x63: {  	_ =	swait.ge [sflag:s25], $0x6400  }
0x64: {  	p1 =	sge.u32 s2, s7;
	[sflag:s25] =	ssyncset.done $0x0  }
0x65: {  	s15 =	smul.u32 @!p1 $0xC8, s2;
	s0 =	simm.s32 @!p1 $0x3;
	[sflag:s25] =	ssyncadd.s32 $0xFFFF9C00  }
0x66: {  	_ =	swait.ge @!p1 [sflag:s0], $0x6400  }
0x67: {  	s15 =	sadd.s32 @!p1 s8, s15;
	[sflag:s0] =	ssyncset.done @!p1 $0x0  }
0x68: {  	[sflag:s0] =	ssyncadd.s32 @!p1 $0xFFFF9C00;
	s0 =	sshll.u32 @!p1 s15, $0x4  }
0x69: {  	s19 =	simm.s32 @!p1 $0x1400;
	s15 =	simm.s32 @!p1 $0x0;
	s0 =	sadd.s32 @!p1 s1, s0  }
0x6a: {  	[tilespmem:s19], [sflag:$0x1] =	stream.linear.gather @!p1 [hbm4b:s0+s15], $0x6400, $0x38;
	[tilespmem:$0x1A480] =	vst v63  }
0x6b: {  	s0 =	sshll.u32 @!p1 s2, $0x8  }
0x6c: {  	s0 =	sand.u32 @!p1 $0x3FFFFF00, s0  }
0x6d: {  	s2 =	simm.s32 @!p1 $0x64;
	s15 =	simm.s32 @!p1 $0xDC00;
	s0 =	sadd.s32 @!p1 s0, s10  }
0x6e: {  	[tilespmem:s15], [sflag:$0x1] =	stream.indirect.gather @!p1 [hbm4b:s3+s2], $0x80, s0, s2, $0xb8;
	[tilespmem:$0x1A480] =	vst v63  }
0x6f: {  	s0 =	sadd.s32 @!p1 $0x80, s0;
	s15 =	simm.s32 @!p1 $0x10E00  }
0x70: {  	[tilespmem:s15], [sflag:$0x1] =	stream.indirect.gather @!p1 [hbm4b:s3+s2], $0x80, s0, s2, $0xb8;
	[tilespmem:$0x1A480] =	vst v63  }
0x71: {  	s0 =	simm.s32 $0x0  }
0x72: {  	v8 =	vld [tilespmem:s0+$0x14000]  }
0x73: {  	v14 =	vld [tilespmem:s0+$0x14010]  }
0x74: {  	v7 =	vld [tilespmem:s0+$0x14020]  }
0x75: {  	v6 =	vld [tilespmem:s0+$0x14030]  }
0x76: {  	v5 =	vld [tilespmem:s0+$0x14040]  }
0x77: {  	v4 =	vld [tilespmem:s0+$0x14050]  }
0x78: {  	v3 =	vld [tilespmem:s0+$0x14060]  }
0x79: {  	v2 =	vld [tilespmem:s0+$0x14070]  }
0x7a: {  	v9 =	vld [tilespmem:s0+$0x7800]  }
0x7b: {  	v13 =	vld [tilespmem:s0+$0x7810]  }
0x7c: {  	v12 =	vld [tilespmem:s0+$0x7820]  }
0x7d: {  	v11 =	vld [tilespmem:s0+$0x7830]  }
0x7e: {  	v10 =	vld [tilespmem:s0+$0x7840]  }
0x7f: {  	v15 =	vmul.f32 v9, v0;
	v16 =	vmul.f32 v8, v1;
	v9 =	vld [tilespmem:s0+$0x7850]  }
0x80: {  	s2 =	simm.s32 $0x200;
	v13 =	vmul.f32 v13, v0;
	v14 =	vmul.f32 v14, v1;
	v8 =	vld [tilespmem:s0+$0x7860]  }
.LBB2_5:
0x81: {  	s15 =	sshra.s32 s2, $0x2;
	p1 =	sne.s32 s2, $0x18E00;
	v15 =	vadd.f32 v16, v15;
	v12 =	vmul.f32 v12, v0;
	v7 =	vmul.f32 v7, v1;
	v16 =	vld [tilespmem:s0+$0x7870]  }
0x82: {  	v6 =	vmul.f32 v6, v1;
	v17 =	vld [tilespmem:s15+$0x14000];
	v13 =	vadd.f32 v14, v13;
	v11 =	vmul.f32 v11, v0  }
0x83: {  	v5 =	vmul.f32 v5, v1;
	v14 =	vld [tilespmem:s15+$0x14010];
	[tilespmem:s0+$0x7800] =	vst v15;
	v12 =	vadd.f32 v7, v12;
	v10 =	vmul.f32 v10, v0  }
0x84: {  	v4 =	vmul.f32 v4, v1;
	v7 =	vld [tilespmem:s15+$0x14020];
	[tilespmem:s0+$0x7810] =	vst v13;
	v11 =	vadd.f32 v6, v11;
	v9 =	vmul.f32 v9, v0  }
0x85: {  	v3 =	vmul.f32 v3, v1;
	v6 =	vld [tilespmem:s15+$0x14030];
	[tilespmem:s0+$0x7820] =	vst v12;
	v10 =	vadd.f32 v5, v10;
	v8 =	vmul.f32 v8, v0  }
0x86: {  	v2 =	vmul.f32 v2, v1;
	v5 =	vld [tilespmem:s15+$0x14040];
	[tilespmem:s0+$0x7830] =	vst v11;
	v9 =	vadd.f32 v4, v9;
	v11 =	vmul.f32 v16, v0  }
0x87: {  	v4 =	vld [tilespmem:s15+$0x14050];
	[tilespmem:s0+$0x7840] =	vst v10;
	v8 =	vadd.f32 v3, v8  }
0x88: {  	v3 =	vld [tilespmem:s15+$0x14060];
	[tilespmem:s0+$0x7850] =	vst v9;
	v9 =	vadd.f32 v2, v11  }
0x89: {  	v2 =	vld [tilespmem:s15+$0x14070];
	[tilespmem:s0+$0x7860] =	vst v8  }
0x8a: {  	v8 =	vld [tilespmem:s15+$0x7800];
	[tilespmem:s0+$0x7870] =	vst v9;
	s0 =	smov.u32 s15  }
0x8b: {  	v13 =	vld [tilespmem:s0+$0x7810]  }
.Ltmp1:
0x8c: {  	v12 =	vld [tilespmem:s0+$0x7820];
	(pc) =	sbr.rel @p1 .LBB2_5-.Ltmp1, $4  }
0x8d: {  	v11 =	vld [tilespmem:s0+$0x7830]  }
0x8e: {  	v10 =	vld [tilespmem:s0+$0x7840]  }
0x8f: {  	v16 =	vmul.f32 v17, v1;
	v15 =	vmul.f32 v8, v0;
	v9 =	vld [tilespmem:s0+$0x7850]  }
0x90: {  	s2 =	sadd.s32 $0x200, s2;
	v14 =	vmul.f32 v14, v1;
	v13 =	vmul.f32 v13, v0;
	v8 =	vld [tilespmem:s0+$0x7860]  }
0x91: {  	v15 =	vadd.f32 v16, v15;
	v12 =	vmul.f32 v12, v0;
	v7 =	vmul.f32 v7, v1;
	v61 =	vld [tilespmem:s0+$0x7870]  }
0x92: {  	v6 =	vmul.f32 v6, v1;
	v13 =	vadd.f32 v14, v13;
	v11 =	vmul.f32 v11, v0  }
0x93: {  	v5 =	vmul.f32 v5, v1;
	[tilespmem:s0+$0x7800] =	vst v15;
	v7 =	vadd.f32 v7, v12;
	v10 =	vmul.f32 v10, v0  }
0x94: {  	v4 =	vmul.f32 v4, v1;
	[tilespmem:s0+$0x7810] =	vst v13;
	v6 =	vadd.f32 v6, v11;
	v9 =	vmul.f32 v9, v0  }
0x95: {  	v3 =	vmul.f32 v3, v1;
	s30 =	sadd.s32 $0x1, s30;
	[tilespmem:s0+$0x7820] =	vst v7;
	v5 =	vadd.f32 v5, v10;
	v62 =	vmul.f32 v8, v0  }
0x96: {  	v2 =	vmul.f32 v2, v1;
	p1 =	sne.s32 s30, s13;
	[tilespmem:s0+$0x7830] =	vst v6;
	v4 =	vadd.f32 v4, v9;
	v63 =	vmul.f32 v61, v0  }
.Ltmp2:
0x97: {  	[tilespmem:s0+$0x7840] =	vst v5;
	v3 =	vadd.f32 v3, v62;
	(pc) =	sbr.rel @p1 .LBB2_2-.Ltmp2, $4  }
0x98: {  	[tilespmem:s0+$0x7850] =	vst v4;
	v2 =	vadd.f32 v2, v63  }
0x99: {  	[tilespmem:s0+$0x7860] =	vst v3  }
0x9a: {  	s31 =	sadd.s32 s4, s31;
	[tilespmem:s0+$0x7870] =	vst v2  }
0x9b: {  	[hbm4b:s31+s5] =	stream.linear.scatter [tilespmem:s22], [sflag:$0x4], $0x6400, $0x38;
	[tilespmem:$0x1A480] =	vst v63  }
0x9c: {  	s29 =	sadd.s32 $0x1, s29  }
0x9d: {  	_ =	swait.ge [sflag:s26], $0x6400;
	p1 =	sne.s32 s29, s14  }
.Ltmp3:
0x9e: {  	[sflag:s26] =	ssyncset.done $0x0;
	(pc) =	sbr.rel @p1 .LBB2_1-.Ltmp3, $4  }
0x9f: {  	[sflag:s26] =	ssyncadd.s32 $0xFFFF9C00  }
0xa0: {  	_ =	swait.ge [sflag:s28], $0x6400  }
0xa1: {  	[sflag:s28] =	ssyncset.done $0x0  }
0xa2: {  	[sflag:s28] =	ssyncadd.s32 $0xFFFF9C00  }
0xa3: {  	_ =	sfence.sel $0x180000  }
0xa4: {  	[bflag:$0x0] =	sbarrier.arrive $0xFFFF  }
0xa5: {  	_ =	strace $0x90000047  }
0xa6: {  	s0 =	stileid.u32;
	[bflag:$0x2] =	sbarrier.arrive $0xFFFF  }
0xa7: {  	p0 =	sne.s32 s0, $0x0;
	s0 =	rddreg [dreg:$0x4]  }
0xa8: {  	s0 =	sadd.s32 @!p0 $0x100000, s0  }
0xa9: {  	[sflag:s0] =	ssyncadd.tile.s32 @!p0 $0x1;
	_ =	shalt  }
.Lfunc_end2:
_tile_overlayer_lowered:
.L_overlay_start_2:
0xaa: {  	(tag) =	ssettag $0x2  }
0xab: {  	s0 =	rddreg [dreg:$0x0];
	s2 =	stileid.u32  }
0xac: {  	s1 =	rddreg [dreg:$0x1];
	p0 =	sne.s32 s2, $0x0  }
0xad: {  	s3 =	rddreg [dreg:$0x2];
	[bflag:$0x3] =	sbarrier.arrive $0xFFFF;
	s2 =	simm.s32 @!p0 $0x1C05  }
0xae: {  	[timem:s3], [sflag:s2] =	dma.local @!p0 [hbm:s0], s1  }
0xaf: {  	s0 =	simm.s32 @!p0 $0x5  }
0xb0: {  	_ =	swait.ge @!p0 [sflag:s0], s1  }
0xb1: {  	s1 =	ssub.s32 @!p0 $0x0, s1;
	[sflag:s0] =	ssyncset.done @!p0 $0x0  }
0xb2: {  	[sflag:s0] =	ssyncadd.s32 @!p0 s1  }
0xb3: {  	[bflag:$0x3] =	sbarrier.arrive $0xFFFF  }
0xb4: {  	_ =	shalt  }

</sc_bundles>
